<compile_context>
chip_gen: v7x
topology: tpu7x:2x2x1
jax: 0.10.2.dev20260603
libtpu: 0.0.44.dev20260713+nightly
codegen_flags: <defaults>
</compile_context>

<pallas_src>
import functools

import jax
import jax.numpy as jnp
from jax import lax
from jax.experimental import pallas as pl
from jax.experimental.pallas import tpu as pltpu, tpu_sc as plsc

WIN = 16
R = 4
WOUT = WIN - R
HALF = WIN // 2



def _layer_norm(x, g, b):
    m = jnp.mean(x, -1, keepdims=True)
    v = jnp.var(x, -1, keepdims=True)
    return (x - m) / jnp.sqrt(v + 1e-5) * g + b


def _local_attn(x, p, num_heads):
    B, N, D = x.shape
    w = WIN
    nW = N // w
    H = num_heads
    dh = D // H
    h = _layer_norm(x, p['ln_g'], p['ln_b'])
    qkv = h @ p['Wqkv'] + p['bqkv']
    qkv = qkv.reshape(B, nW, w, 3, H, dh)
    q = jnp.transpose(qkv[:, :, :, 0], (0, 1, 3, 2, 4))
    k = jnp.transpose(qkv[:, :, :, 1], (0, 1, 3, 2, 4))
    v = jnp.transpose(qkv[:, :, :, 2], (0, 1, 3, 2, 4))
    att = jnp.einsum('bwhqd,bwhkd->bwhqk', q, k) / jnp.sqrt(float(dh))
    att = jax.nn.softmax(att, axis=-1)
    o = jnp.einsum('bwhqk,bwhkd->bwhqd', att, v)
    o = jnp.transpose(o, (0, 1, 3, 2, 4)).reshape(B, N, D)
    return x + o @ p['Wo'] + p['bo']


def _merge_tokens(x, r):
    B, N, D = x.shape
    w = WIN
    nW = N // w
    half = HALF
    xr = x.reshape(B, nW, w, D)
    a = xr[:, :, 0::2, :]
    b = xr[:, :, 1::2, :]
    an = a / (jnp.linalg.norm(a, axis=-1, keepdims=True) + 1e-6)
    bn = b / (jnp.linalg.norm(b, axis=-1, keepdims=True) + 1e-6)
    sc = jnp.einsum('bwad,bwcd->bwac', an, bn)
    node_max = sc.max(-1)
    node_idx = sc.argmax(-1)
    order = jnp.argsort(-node_max, axis=-1)
    src_idx = order[..., :r]
    unm_idx = order[..., r:]
    dst_idx = jnp.take_along_axis(node_idx, src_idx, axis=-1)
    src_tok = jnp.take_along_axis(a, src_idx[..., None], axis=2)
    unm_tok = jnp.take_along_axis(a, unm_idx[..., None], axis=2)
    oh_dst = jax.nn.one_hot(dst_idx, half, dtype=x.dtype)
    add = jnp.einsum('bwrh,bwrd->bwhd', oh_dst, src_tok)
    counts = 1.0 + oh_dst.sum(axis=2)
    dst = (b + add) / counts[..., None]
    x_new = jnp.concatenate([unm_tok, dst], axis=2).reshape(B, nW * (w - r), D)

    oh_unm = jax.nn.one_hot(unm_idx, half, dtype=jnp.int32)
    oh_src = jax.nn.one_hot(src_idx, half, dtype=jnp.int32)
    upos = jax.lax.broadcasted_iota(jnp.int32, unm_idx.shape, 2)
    p_a = jnp.einsum('bwuh,bwu->bwh', oh_unm, upos) \
        + jnp.einsum('bwsh,bws->bwh', oh_src, r + dst_idx)
    p_b = r + jax.lax.broadcasted_iota(jnp.int32, (B, nW, half), 2)
    p_dest = jnp.stack([p_a, p_b], axis=-1).reshape(B, nW, w)
    return x_new, p_dest



def _onehot_kernel(g_ref, o_ref, *, Nf):
    g = g_ref[0, 0, :]
    Rt = g.shape[0]
    oi = jax.lax.broadcasted_iota(jnp.int32, (Rt, Nf), 1)
    o_ref[...] = (oi == g[:, None]).astype(jnp.float32)


def _materialize_source(g, Nf, Rt=512):
    BN0 = g.shape[0]
    Rt = min(Rt, BN0)
    nT = BN0 // Rt
    g3 = g.reshape(nT, 1, Rt)
    kern = functools.partial(_onehot_kernel, Nf=Nf)
    return pl.pallas_call(
        kern,
        grid=(nT,),
        in_specs=[pl.BlockSpec((1, 1, Rt), lambda i: (i, 0, 0))],
        out_specs=pl.BlockSpec((Rt, Nf), lambda i: (i, 0)),
        out_shape=jax.ShapeDtypeStruct((BN0, Nf), jnp.float32),
    )(g3)



_SC_CORES = 2
_SC_SUBCORES = 16
_SC_LANES = 16


def _compose_sc(d1, d2, d3, d4, B, N0, N1, N2, N3):
    NW = _SC_CORES * _SC_SUBCORES
    L = _SC_LANES
    CH = (B * N0) // NW
    mesh = plsc.VectorSubcoreMesh(core_axis_name="c", subcore_axis_name="s")

    @functools.partial(
        pl.kernel, mesh=mesh,
        out_type=jax.ShapeDtypeStruct((B * N0,), jnp.int32),
        compiler_params=pltpu.CompilerParams(
            use_tc_tiling_on_sc=False, needs_layout_passes=False),
        scratch_types=[
            pltpu.VMEM((CH,), jnp.int32),
            pltpu.VMEM((B * N1,), jnp.int32),
            pltpu.VMEM((B * N2,), jnp.int32),
            pltpu.VMEM((B * N3,), jnp.int32),
            pltpu.VMEM((CH,), jnp.int32),
        ],
    )
    def compose(d1_hbm, d2_hbm, d3_hbm, d4_hbm, out_hbm,
                d1_v, d2_v, d3_v, d4_v, out_v):
        wid = lax.axis_index("s") * _SC_CORES + lax.axis_index("c")
        base = wid * CH
        b = base // N0
        pltpu.sync_copy(d1_hbm.at[pl.ds(base, CH)], d1_v)
        pltpu.sync_copy(d2_hbm, d2_v)
        pltpu.sync_copy(d3_hbm, d3_v)
        pltpu.sync_copy(d4_hbm, d4_v)
        for i in range(CH // L):
            g1 = d1_v[pl.ds(i * L, L)]
            g2 = plsc.load_gather(d2_v, [g1 + b * N1])
            g3 = plsc.load_gather(d3_v, [g2 + b * N2])
            g4 = plsc.load_gather(d4_v, [g3 + b * N3])
            out_v[pl.ds(i * L, L)] = g4
        pltpu.sync_copy(out_v, out_hbm.at[pl.ds(base, CH)])

    return compose(d1, d2, d3, d4)


def kernel(params, input_ids):
    emb = params['emb']
    B, N0 = input_ids.shape
    num_heads = 16
    x = emb[input_ids]
    num_layers = len(params['layers'])
    N = N0
    ds = []
    Ns = []
    for li in range(num_layers):
        x = _local_attn(x, params['layers'][li], num_heads)
        x, pd = _merge_tokens(x, R)
        nW = N // WIN
        d = (jax.lax.broadcasted_iota(jnp.int32, (B, nW, WIN), 1) * WOUT
             + pd).reshape(B * N)
        ds.append(d)
        Ns.append(N)
        N = nW * WOUT
    g = _compose_sc(ds[0], ds[1], ds[2], ds[3], B, *Ns)
    source = _materialize_source(g, N).reshape(B, N0, N)
    return x, source

# --- scband reference (transcript-rebuilt; emitter-appended) ---
"""Pipeline reference for scband-local-encoder-80272938762634 (READ-ONLY COPY).

The authoritative reference and input builder live on the scoring server;
editing this copy changes nothing except your own understanding.
"""

import jax, jax.numpy as jnp
import numpy as np

EMBED_DIM = 1024
NUM_HEADS = 16
WINDOW = 16
NUM_LAYERS = 4
VOCAB = 10
R = 4  # learned schedule with r_min=r_max=4 -> sigmoid(0)=0.5 -> r=4 every layer (noise clamped away)


def layer_norm(x, g, b):
    m = jnp.mean(x, -1, keepdims=True)
    v = jnp.var(x, -1, keepdims=True)
    return (x - m) / jnp.sqrt(v + 1e-5) * g + b


def local_attn(x, p):
    B, N, D = x.shape
    w = WINDOW
    nW = N // w
    H = NUM_HEADS
    dh = D // H
    h = layer_norm(x, p['ln_g'], p['ln_b'])
    qkv = h @ p['Wqkv'] + p['bqkv']
    qkv = qkv.reshape(B, nW, w, 3, H, dh)
    q = jnp.transpose(qkv[:, :, :, 0], (0, 1, 3, 2, 4))
    k = jnp.transpose(qkv[:, :, :, 1], (0, 1, 3, 2, 4))
    v = jnp.transpose(qkv[:, :, :, 2], (0, 1, 3, 2, 4))
    att = jnp.einsum('bwhqd,bwhkd->bwhqk', q, k) / jnp.sqrt(float(dh))
    att = jax.nn.softmax(att, axis=-1)
    o = jnp.einsum('bwhqk,bwhkd->bwhqd', att, v)
    o = jnp.transpose(o, (0, 1, 3, 2, 4)).reshape(B, N, D)
    return x + o @ p['Wo'] + p['bo']


def token_merge(x, source, r):
    # ToMe bipartite soft matching restricted to local windows
    B, N, D = x.shape
    w = WINDOW
    nW = N // w
    half = w // 2
    xr = x.reshape(B, nW, w, D)
    a = xr[:, :, 0::2, :]
    b = xr[:, :, 1::2, :]
    an = a / (jnp.linalg.norm(a, axis=-1, keepdims=True) + 1e-6)
    bn = b / (jnp.linalg.norm(b, axis=-1, keepdims=True) + 1e-6)
    sc = jnp.einsum('bwad,bwcd->bwac', an, bn)
    node_max = sc.max(-1)
    node_idx = sc.argmax(-1)
    order = jnp.argsort(-node_max, axis=-1)
    src_idx = order[..., :r]
    unm_idx = order[..., r:]
    dst_idx = jnp.take_along_axis(node_idx, src_idx, axis=-1)
    src_tok = jnp.take_along_axis(a, src_idx[..., None], axis=2)
    unm_tok = jnp.take_along_axis(a, unm_idx[..., None], axis=2)
    oh_dst = jax.nn.one_hot(dst_idx, half, dtype=x.dtype)
    add = jnp.einsum('bwrh,bwrd->bwhd', oh_dst, src_tok)
    counts = 1.0 + oh_dst.sum(axis=2)
    dst = (b + add) / counts[..., None]
    x_new = jnp.concatenate([unm_tok, dst], axis=2).reshape(B, nW * (w - r), D)
    # update source matrix with the same merge pattern (membership sums)
    No = source.shape[1]
    sr = source.reshape(B, No, nW, w)
    sa = sr[..., 0::2]
    sb = sr[..., 1::2]
    oh_src = jax.nn.one_hot(src_idx, half, dtype=x.dtype)
    oh_unm = jax.nn.one_hot(unm_idx, half, dtype=x.dtype)
    s_src = jnp.einsum('bwrh,bnwh->bnwr', oh_src, sa)
    s_unm = jnp.einsum('bwuh,bnwh->bnwu', oh_unm, sa)
    s_dst = sb + jnp.einsum('bwrh,bnwr->bnwh', oh_dst, s_src)
    source_new = jnp.concatenate([s_unm, s_dst], axis=3).reshape(B, No, nW * (w - r))
    return x_new, source_new


def forward(params, input_ids):
    x = params['emb'][input_ids]
    B, N = input_ids.shape
    source = jnp.broadcast_to(jnp.eye(N, dtype=x.dtype)[None], (B, N, N))
    for i in range(NUM_LAYERS):
        x = local_attn(x, params['layers'][i])
        x, source = token_merge(x, source, R)
    return x, source


def setup_inputs(seed: int = 0):
    key = jax.random.key(seed)
    ks = jax.random.split(key, 4)
    D = EMBED_DIM
    input_ids = jax.random.randint(ks[0], (2, 4096), 0, VOCAB, dtype=jnp.int32)
    emb = jax.random.normal(ks[1], (VOCAB, D), dtype=jnp.float32) * 0.02
    layers = []
    for i in range(NUM_LAYERS):
        k = jax.random.fold_in(key, 100 + i)
        kk = jax.random.split(k, 2)
        layers.append({
            'ln_g': jnp.ones((D,), jnp.float32),
            'ln_b': jnp.zeros((D,), jnp.float32),
            'Wqkv': jax.random.normal(kk[0], (D, 3 * D), dtype=jnp.float32) * 0.02,
            'bqkv': jnp.zeros((3 * D,), jnp.float32),
            'Wo': jax.random.normal(kk[1], (D, D), dtype=jnp.float32) * 0.02,
            'bo': jnp.zeros((D,), jnp.float32),
        })
    params = {'emb': emb, 'layers': layers}
    return {'params': params, 'input_ids': input_ids}


def reference(params, input_ids):
    z, source = forward(params, input_ids)
    return z, source

if __name__ == "__main__":
    import jax
    _d = setup_inputs()
    print(jax.jit(kernel)(*tuple(_d.values())))

</pallas_src>

<mosaic_0001>
#map = affine_map<(d0, d1) -> (0)>
module attributes {stable_mosaic.version = 14 : i64} {
  func.func @compose(%arg0: i32, %arg1: i32, %arg2: memref<8192xi32, #tpu.memory_space<hbm>>, %arg3: memref<6144xi32, #tpu.memory_space<hbm>>, %arg4: memref<4608xi32, #tpu.memory_space<hbm>>, %arg5: memref<3456xi32, #tpu.memory_space<hbm>>, %arg6: memref<8192xi32, #tpu.memory_space<hbm>>, %arg7: memref<256xi32, #tpu.memory_space<vmem>>, %arg8: memref<6144xi32, #tpu.memory_space<vmem>>, %arg9: memref<4608xi32, #tpu.memory_space<vmem>>, %arg10: memref<3456xi32, #tpu.memory_space<vmem>>, %arg11: memref<256xi32, #tpu.memory_space<vmem>>) attributes {dimension_semantics = [#tpu.dimension_semantics<core_parallel>, #tpu.dimension_semantics<subcore_parallel>], iteration_bounds = array<i64: 2, 16>, scalar_prefetch = 0 : i64, scratch_operands = 5 : i64, tpu.core_type = #tpu.core_type<sc_vector_subcore>, window_params = [{transform_indices = #map}, {transform_indices = #map}, {transform_indices = #map}, {transform_indices = #map}, {transform_indices = #map}]} {
    %mul3A = arith.constant 2 : i32
    %mul3A_0 = arith.muli %arg1, %mul3A : i32
    %add3A = arith.addi %mul3A_0, %arg0 : i32
    %mul3A_1 = arith.constant 256 : i32
    %mul3A_2 = arith.muli %add3A, %mul3A_1 : i32
    %jit3A = arith.constant 4096 : i32
    %div3A = arith.divsi %mul3A_2, %jit3A : i32
    %sign3A = arith.constant 0 : i32
    %sign3A_3 = arith.cmpi sgt, %mul3A_2, %sign3A : i32
    %sign3A_4 = arith.extui %sign3A_3 : i1 to i32
    %sign3A_5 = arith.constant 0 : i32
    %sign3A_6 = arith.cmpi slt, %mul3A_2, %sign3A_5 : i32
    %sign3A_7 = arith.extui %sign3A_6 : i1 to i32
    %sign3A_8 = arith.subi %sign3A_4, %sign3A_7 : i32
    %sign3A_9 = arith.constant 0 : i32
    %sign3A_10 = arith.cmpi sgt, %jit3A, %sign3A_9 : i32
    %sign3A_11 = arith.extui %sign3A_10 : i1 to i32
    %sign3A_12 = arith.constant 0 : i32
    %sign3A_13 = arith.cmpi slt, %jit3A, %sign3A_12 : i32
    %sign3A_14 = arith.extui %sign3A_13 : i1 to i32
    %sign3A_15 = arith.subi %sign3A_11, %sign3A_14 : i32
    %ne3A = arith.cmpi ne, %sign3A_8, %sign3A_15 : i32
    %rem3A = arith.remsi %mul3A_2, %jit3A : i32
    %ne3A_16 = arith.constant 0 : i32
    %ne3A_17 = arith.cmpi ne, %rem3A, %ne3A_16 : i32
    %and3A = arith.andi %ne3A, %ne3A_17 : i1
    %sub3A = arith.constant 1 : i32
    %sub3A_18 = arith.subi %div3A, %sub3A : i32
    %select_n3A = arith.select %and3A, %sub3A_18, %div3A : i32
    "tpu.region"() ({
      %run_scoped3A = tpu.sem_alloc : memref<!tpu.dma_semaphore, #tpu.memory_space<semaphore_mem>>
      %dma_start3A = tpu.memref_slice %arg2[%mul3A_2] : memref<8192xi32, #tpu.memory_space<hbm>> -> memref<256xi32, #tpu.memory_space<hbm>>
      %dma_start3A_320 = tpu.memref_slice %arg2[%mul3A_2] : memref<8192xi32, #tpu.memory_space<hbm>> -> memref<256xi32, #tpu.memory_space<hbm>>
      tpu.enqueue_dma source(%dma_start3A_320 : memref<256xi32, #tpu.memory_space<hbm>>) target(%arg7 : memref<256xi32, #tpu.memory_space<vmem>>) target_semaphore(%run_scoped3A : memref<!tpu.dma_semaphore, #tpu.memory_space<semaphore_mem>>)
      %dma_wait3A = tpu.memref_slice %arg2[%mul3A_2] : memref<8192xi32, #tpu.memory_space<hbm>> -> memref<256xi32, #tpu.memory_space<hbm>>
      %dma_wait3A_321 = tpu.memref_slice %arg2[%mul3A_2] : memref<8192xi32, #tpu.memory_space<hbm>> -> memref<256xi32, #tpu.memory_space<hbm>>
      tpu.wait_dma2 semaphore(%run_scoped3A : memref<!tpu.dma_semaphore, #tpu.memory_space<semaphore_mem>>) src(%dma_wait3A_321 : memref<256xi32, #tpu.memory_space<hbm>>) dst(%arg7 : memref<256xi32, #tpu.memory_space<vmem>>)
      tpu.yield
    }) : () -> ()
    "tpu.region"() ({
      %run_scoped3A = tpu.sem_alloc : memref<!tpu.dma_semaphore, #tpu.memory_space<semaphore_mem>>
      tpu.enqueue_dma source(%arg3 : memref<6144xi32, #tpu.memory_space<hbm>>) target(%arg8 : memref<6144xi32, #tpu.memory_space<vmem>>) target_semaphore(%run_scoped3A : memref<!tpu.dma_semaphore, #tpu.memory_space<semaphore_mem>>)
      tpu.wait_dma2 semaphore(%run_scoped3A : memref<!tpu.dma_semaphore, #tpu.memory_space<semaphore_mem>>) src(%arg3 : memref<6144xi32, #tpu.memory_space<hbm>>) dst(%arg8 : memref<6144xi32, #tpu.memory_space<vmem>>)
      tpu.yield
    }) : () -> ()
    "tpu.region"() ({
      %run_scoped3A = tpu.sem_alloc : memref<!tpu.dma_semaphore, #tpu.memory_space<semaphore_mem>>
      tpu.enqueue_dma source(%arg4 : memref<4608xi32, #tpu.memory_space<hbm>>) target(%arg9 : memref<4608xi32, #tpu.memory_space<vmem>>) target_semaphore(%run_scoped3A : memref<!tpu.dma_semaphore, #tpu.memory_space<semaphore_mem>>)
      tpu.wait_dma2 semaphore(%run_scoped3A : memref<!tpu.dma_semaphore, #tpu.memory_space<semaphore_mem>>) src(%arg4 : memref<4608xi32, #tpu.memory_space<hbm>>) dst(%arg9 : memref<4608xi32, #tpu.memory_space<vmem>>)
      tpu.yield
    }) : () -> ()
    "tpu.region"() ({
      %run_scoped3A = tpu.sem_alloc : memref<!tpu.dma_semaphore, #tpu.memory_space<semaphore_mem>>
      tpu.enqueue_dma source(%arg5 : memref<3456xi32, #tpu.memory_space<hbm>>) target(%arg10 : memref<3456xi32, #tpu.memory_space<vmem>>) target_semaphore(%run_scoped3A : memref<!tpu.dma_semaphore, #tpu.memory_space<semaphore_mem>>)
      tpu.wait_dma2 semaphore(%run_scoped3A : memref<!tpu.dma_semaphore, #tpu.memory_space<semaphore_mem>>) src(%arg5 : memref<3456xi32, #tpu.memory_space<hbm>>) dst(%arg10 : memref<3456xi32, #tpu.memory_space<vmem>>)
      tpu.yield
    }) : () -> ()
    %get3A = arith.constant 0 : index
    %get3A_19 = tpu.vector_load %arg7[%get3A] {strides = array<i32>} : memref<256xi32, #tpu.memory_space<vmem>>, vector<16xi32>,
    %mul3A_20 = arith.constant 3072 : i32
    %mul3A_21 = arith.muli %select_n3A, %mul3A_20 : i32
    %add3A_22 = vector.broadcast %mul3A_21 : i32 to vector<16xi32>
    %add3A_23 = arith.addi %get3A_19, %add3A_22 : vector<16xi32>
    %gather3A = tpu.vector_load_idx %arg8[%add3A_23] : memref<6144xi32, #tpu.memory_space<vmem>>[vector<16xi32>], vector<16xi32>,
    %mul3A_24 = arith.constant 2304 : i32
    %mul3A_25 = arith.muli %select_n3A, %mul3A_24 : i32
    %add3A_26 = vector.broadcast %mul3A_25 : i32 to vector<16xi32>
    %add3A_27 = arith.addi %gather3A, %add3A_26 : vector<16xi32>
    %gather3A_28 = tpu.vector_load_idx %arg9[%add3A_27] : memref<4608xi32, #tpu.memory_space<vmem>>[vector<16xi32>], vector<16xi32>,
    %mul3A_29 = arith.constant 1728 : i32
    %mul3A_30 = arith.muli %select_n3A, %mul3A_29 : i32
    %add3A_31 = vector.broadcast %mul3A_30 : i32 to vector<16xi32>
    %add3A_32 = arith.addi %gather3A_28, %add3A_31 : vector<16xi32>
    %gather3A_33 = tpu.vector_load_idx %arg10[%add3A_32] : memref<3456xi32, #tpu.memory_space<vmem>>[vector<16xi32>], vector<16xi32>,
    %swap3A = arith.constant 0 : index
    %swap3A_34 = tpu.vector_load %arg11[%swap3A] {strides = array<i32>} : memref<256xi32, #tpu.memory_space<vmem>>, vector<16xi32>,
    tpu.vector_store %arg11[%swap3A], %gather3A_33 {strides = array<i32>} : memref<256xi32, #tpu.memory_space<vmem>>, vector<16xi32>,
    %get3A_35 = arith.constant 16 : index
    %get3A_36 = tpu.vector_load %arg7[%get3A_35] {strides = array<i32>} : memref<256xi32, #tpu.memory_space<vmem>>, vector<16xi32>,
    %mul3A_37 = arith.constant 3072 : i32
    %mul3A_38 = arith.muli %select_n3A, %mul3A_37 : i32
    %add3A_39 = vector.broadcast %mul3A_38 : i32 to vector<16xi32>
    %add3A_40 = arith.addi %get3A_36, %add3A_39 : vector<16xi32>
    %gather3A_41 = tpu.vector_load_idx %arg8[%add3A_40] : memref<6144xi32, #tpu.memory_space<vmem>>[vector<16xi32>], vector<16xi32>,
    %mul3A_42 = arith.constant 2304 : i32
    %mul3A_43 = arith.muli %select_n3A, %mul3A_42 : i32
    %add3A_44 = vector.broadcast %mul3A_43 : i32 to vector<16xi32>
    %add3A_45 = arith.addi %gather3A_41, %add3A_44 : vector<16xi32>
    %gather3A_46 = tpu.vector_load_idx %arg9[%add3A_45] : memref<4608xi32, #tpu.memory_space<vmem>>[vector<16xi32>], vector<16xi32>,
    %mul3A_47 = arith.constant 1728 : i32
    %mul3A_48 = arith.muli %select_n3A, %mul3A_47 : i32
    %add3A_49 = vector.broadcast %mul3A_48 : i32 to vector<16xi32>
    %add3A_50 = arith.addi %gather3A_46, %add3A_49 : vector<16xi32>
    %gather3A_51 = tpu.vector_load_idx %arg10[%add3A_50] : memref<3456xi32, #tpu.memory_space<vmem>>[vector<16xi32>], vector<16xi32>,
    %swap3A_52 = arith.constant 16 : index
    %swap3A_53 = tpu.vector_load %arg11[%swap3A_52] {strides = array<i32>} : memref<256xi32, #tpu.memory_space<vmem>>, vector<16xi32>,
    tpu.vector_store %arg11[%swap3A_52], %gather3A_51 {strides = array<i32>} : memref<256xi32, #tpu.memory_space<vmem>>, vector<16xi32>,
    %get3A_54 = arith.constant 32 : index
    %get3A_55 = tpu.vector_load %arg7[%get3A_54] {strides = array<i32>} : memref<256xi32, #tpu.memory_space<vmem>>, vector<16xi32>,
    %mul3A_56 = arith.constant 3072 : i32
    %mul3A_57 = arith.muli %select_n3A, %mul3A_56 : i32
    %add3A_58 = vector.broadcast %mul3A_57 : i32 to vector<16xi32>
    %add3A_59 = arith.addi %get3A_55, %add3A_58 : vector<16xi32>
    %gather3A_60 = tpu.vector_load_idx %arg8[%add3A_59] : memref<6144xi32, #tpu.memory_space<vmem>>[vector<16xi32>], vector<16xi32>,
    %mul3A_61 = arith.constant 2304 : i32
    %mul3A_62 = arith.muli %select_n3A, %mul3A_61 : i32
    %add3A_63 = vector.broadcast %mul3A_62 : i32 to vector<16xi32>
    %add3A_64 = arith.addi %gather3A_60, %add3A_63 : vector<16xi32>
    %gather3A_65 = tpu.vector_load_idx %arg9[%add3A_64] : memref<4608xi32, #tpu.memory_space<vmem>>[vector<16xi32>], vector<16xi32>,
    %mul3A_66 = arith.constant 1728 : i32
    %mul3A_67 = arith.muli %select_n3A, %mul3A_66 : i32
    %add3A_68 = vector.broadcast %mul3A_67 : i32 to vector<16xi32>
    %add3A_69 = arith.addi %gather3A_65, %add3A_68 : vector<16xi32>
    %gather3A_70 = tpu.vector_load_idx %arg10[%add3A_69] : memref<3456xi32, #tpu.memory_space<vmem>>[vector<16xi32>], vector<16xi32>,
    %swap3A_71 = arith.constant 32 : index
    %swap3A_72 = tpu.vector_load %arg11[%swap3A_71] {strides = array<i32>} : memref<256xi32, #tpu.memory_space<vmem>>, vector<16xi32>,
    tpu.vector_store %arg11[%swap3A_71], %gather3A_70 {strides = array<i32>} : memref<256xi32, #tpu.memory_space<vmem>>, vector<16xi32>,
    %get3A_73 = arith.constant 48 : index
    %get3A_74 = tpu.vector_load %arg7[%get3A_73] {strides = array<i32>} : memref<256xi32, #tpu.memory_space<vmem>>, vector<16xi32>,
    %mul3A_75 = arith.constant 3072 : i32
    %mul3A_76 = arith.muli %select_n3A, %mul3A_75 : i32
    %add3A_77 = vector.broadcast %mul3A_76 : i32 to vector<16xi32>
    %add3A_78 = arith.addi %get3A_74, %add3A_77 : vector<16xi32>
    %gather3A_79 = tpu.vector_load_idx %arg8[%add3A_78] : memref<6144xi32, #tpu.memory_space<vmem>>[vector<16xi32>], vector<16xi32>,
    %mul3A_80 = arith.constant 2304 : i32
    %mul3A_81 = arith.muli %select_n3A, %mul3A_80 : i32
    %add3A_82 = vector.broadcast %mul3A_81 : i32 to vector<16xi32>
    %add3A_83 = arith.addi %gather3A_79, %add3A_82 : vector<16xi32>
    %gather3A_84 = tpu.vector_load_idx %arg9[%add3A_83] : memref<4608xi32, #tpu.memory_space<vmem>>[vector<16xi32>], vector<16xi32>,
    %mul3A_85 = arith.constant 1728 : i32
    %mul3A_86 = arith.muli %select_n3A, %mul3A_85 : i32
    %add3A_87 = vector.broadcast %mul3A_86 : i32 to vector<16xi32>
    %add3A_88 = arith.addi %gather3A_84, %add3A_87 : vector<16xi32>
    %gather3A_89 = tpu.vector_load_idx %arg10[%add3A_88] : memref<3456xi32, #tpu.memory_space<vmem>>[vector<16xi32>], vector<16xi32>,
    %swap3A_90 = arith.constant 48 : index
    %swap3A_91 = tpu.vector_load %arg11[%swap3A_90] {strides = array<i32>} : memref<256xi32, #tpu.memory_space<vmem>>, vector<16xi32>,
    tpu.vector_store %arg11[%swap3A_90], %gather3A_89 {strides = array<i32>} : memref<256xi32, #tpu.memory_space<vmem>>, vector<16xi32>,
    %get3A_92 = arith.constant 64 : index
    %get3A_93 = tpu.vector_load %arg7[%get3A_92] {strides = array<i32>} : memref<256xi32, #tpu.memory_space<vmem>>, vector<16xi32>,
    %mul3A_94 = arith.constant 3072 : i32
    %mul3A_95 = arith.muli %select_n3A, %mul3A_94 : i32
    %add3A_96 = vector.broadcast %mul3A_95 : i32 to vector<16xi32>
    %add3A_97 = arith.addi %get3A_93, %add3A_96 : vector<16xi32>
    %gather3A_98 = tpu.vector_load_idx %arg8[%add3A_97] : memref<6144xi32, #tpu.memory_space<vmem>>[vector<16xi32>], vector<16xi32>,
    %mul3A_99 = arith.constant 2304 : i32
    %mul3A_100 = arith.muli %select_n3A, %mul3A_99 : i32
    %add3A_101 = vector.broadcast %mul3A_100 : i32 to vector<16xi32>
    %add3A_102 = arith.addi %gather3A_98, %add3A_101 : vector<16xi32>
    %gather3A_103 = tpu.vector_load_idx %arg9[%add3A_102] : memref<4608xi32, #tpu.memory_space<vmem>>[vector<16xi32>], vector<16xi32>,
    %mul3A_104 = arith.constant 1728 : i32
    %mul3A_105 = arith.muli %select_n3A, %mul3A_104 : i32
    %add3A_106 = vector.broadcast %mul3A_105 : i32 to vector<16xi32>
    %add3A_107 = arith.addi %gather3A_103, %add3A_106 : vector<16xi32>
    %gather3A_108 = tpu.vector_load_idx %arg10[%add3A_107] : memref<3456xi32, #tpu.memory_space<vmem>>[vector<16xi32>], vector<16xi32>,
    %swap3A_109 = arith.constant 64 : index
    %swap3A_110 = tpu.vector_load %arg11[%swap3A_109] {strides = array<i32>} : memref<256xi32, #tpu.memory_space<vmem>>, vector<16xi32>,
    tpu.vector_store %arg11[%swap3A_109], %gather3A_108 {strides = array<i32>} : memref<256xi32, #tpu.memory_space<vmem>>, vector<16xi32>,
    %get3A_111 = arith.constant 80 : index
    %get3A_112 = tpu.vector_load %arg7[%get3A_111] {strides = array<i32>} : memref<256xi32, #tpu.memory_space<vmem>>, vector<16xi32>,
    %mul3A_113 = arith.constant 3072 : i32
    %mul3A_114 = arith.muli %select_n3A, %mul3A_113 : i32
    %add3A_115 = vector.broadcast %mul3A_114 : i32 to vector<16xi32>
    %add3A_116 = arith.addi %get3A_112, %add3A_115 : vector<16xi32>
    %gather3A_117 = tpu.vector_load_idx %arg8[%add3A_116] : memref<6144xi32, #tpu.memory_space<vmem>>[vector<16xi32>], vector<16xi32>,
    %mul3A_118 = arith.constant 2304 : i32
    %mul3A_119 = arith.muli %select_n3A, %mul3A_118 : i32
    %add3A_120 = vector.broadcast %mul3A_119 : i32 to vector<16xi32>
    %add3A_121 = arith.addi %gather3A_117, %add3A_120 : vector<16xi32>
    %gather3A_122 = tpu.vector_load_idx %arg9[%add3A_121] : memref<4608xi32, #tpu.memory_space<vmem>>[vector<16xi32>], vector<16xi32>,
    %mul3A_123 = arith.constant 1728 : i32
    %mul3A_124 = arith.muli %select_n3A, %mul3A_123 : i32
    %add3A_125 = vector.broadcast %mul3A_124 : i32 to vector<16xi32>
    %add3A_126 = arith.addi %gather3A_122, %add3A_125 : vector<16xi32>
    %gather3A_127 = tpu.vector_load_idx %arg10[%add3A_126] : memref<3456xi32, #tpu.memory_space<vmem>>[vector<16xi32>], vector<16xi32>,
    %swap3A_128 = arith.constant 80 : index
    %swap3A_129 = tpu.vector_load %arg11[%swap3A_128] {strides = array<i32>} : memref<256xi32, #tpu.memory_space<vmem>>, vector<16xi32>,
    tpu.vector_store %arg11[%swap3A_128], %gather3A_127 {strides = array<i32>} : memref<256xi32, #tpu.memory_space<vmem>>, vector<16xi32>,
    %get3A_130 = arith.constant 96 : index
    %get3A_131 = tpu.vector_load %arg7[%get3A_130] {strides = array<i32>} : memref<256xi32, #tpu.memory_space<vmem>>, vector<16xi32>,
    %mul3A_132 = arith.constant 3072 : i32
    %mul3A_133 = arith.muli %select_n3A, %mul3A_132 : i32
    %add3A_134 = vector.broadcast %mul3A_133 : i32 to vector<16xi32>
    %add3A_135 = arith.addi %get3A_131, %add3A_134 : vector<16xi32>
    %gather3A_136 = tpu.vector_load_idx %arg8[%add3A_135] : memref<6144xi32, #tpu.memory_space<vmem>>[vector<16xi32>], vector<16xi32>,
    %mul3A_137 = arith.constant 2304 : i32
    %mul3A_138 = arith.muli %select_n3A, %mul3A_137 : i32
    %add3A_139 = vector.broadcast %mul3A_138 : i32 to vector<16xi32>
    %add3A_140 = arith.addi %gather3A_136, %add3A_139 : vector<16xi32>
    %gather3A_141 = tpu.vector_load_idx %arg9[%add3A_140] : memref<4608xi32, #tpu.memory_space<vmem>>[vector<16xi32>], vector<16xi32>,
    %mul3A_142 = arith.constant 1728 : i32
    %mul3A_143 = arith.muli %select_n3A, %mul3A_142 : i32
    %add3A_144 = vector.broadcast %mul3A_143 : i32 to vector<16xi32>
    %add3A_145 = arith.addi %gather3A_141, %add3A_144 : vector<16xi32>
    %gather3A_146 = tpu.vector_load_idx %arg10[%add3A_145] : memref<3456xi32, #tpu.memory_space<vmem>>[vector<16xi32>], vector<16xi32>,
    %swap3A_147 = arith.constant 96 : index
    %swap3A_148 = tpu.vector_load %arg11[%swap3A_147] {strides = array<i32>} : memref<256xi32, #tpu.memory_space<vmem>>, vector<16xi32>,
    tpu.vector_store %arg11[%swap3A_147], %gather3A_146 {strides = array<i32>} : memref<256xi32, #tpu.memory_space<vmem>>, vector<16xi32>,
    %get3A_149 = arith.constant 112 : index
    %get3A_150 = tpu.vector_load %arg7[%get3A_149] {strides = array<i32>} : memref<256xi32, #tpu.memory_space<vmem>>, vector<16xi32>,
    %mul3A_151 = arith.constant 3072 : i32
    %mul3A_152 = arith.muli %select_n3A, %mul3A_151 : i32
    %add3A_153 = vector.broadcast %mul3A_152 : i32 to vector<16xi32>
    %add3A_154 = arith.addi %get3A_150, %add3A_153 : vector<16xi32>
    %gather3A_155 = tpu.vector_load_idx %arg8[%add3A_154] : memref<6144xi32, #tpu.memory_space<vmem>>[vector<16xi32>], vector<16xi32>,
    %mul3A_156 = arith.constant 2304 : i32
    %mul3A_157 = arith.muli %select_n3A, %mul3A_156 : i32
    %add3A_158 = vector.broadcast %mul3A_157 : i32 to vector<16xi32>
    %add3A_159 = arith.addi %gather3A_155, %add3A_158 : vector<16xi32>
    %gather3A_160 = tpu.vector_load_idx %arg9[%add3A_159] : memref<4608xi32, #tpu.memory_space<vmem>>[vector<16xi32>], vector<16xi32>,
    %mul3A_161 = arith.constant 1728 : i32
    %mul3A_162 = arith.muli %select_n3A, %mul3A_161 : i32
    %add3A_163 = vector.broadcast %mul3A_162 : i32 to vector<16xi32>
    %add3A_164 = arith.addi %gather3A_160, %add3A_163 : vector<16xi32>
    %gather3A_165 = tpu.vector_load_idx %arg10[%add3A_164] : memref<3456xi32, #tpu.memory_space<vmem>>[vector<16xi32>], vector<16xi32>,
    %swap3A_166 = arith.constant 112 : index
    %swap3A_167 = tpu.vector_load %arg11[%swap3A_166] {strides = array<i32>} : memref<256xi32, #tpu.memory_space<vmem>>, vector<16xi32>,
    tpu.vector_store %arg11[%swap3A_166], %gather3A_165 {strides = array<i32>} : memref<256xi32, #tpu.memory_space<vmem>>, vector<16xi32>,
    %get3A_168 = arith.constant 128 : index
    %get3A_169 = tpu.vector_load %arg7[%get3A_168] {strides = array<i32>} : memref<256xi32, #tpu.memory_space<vmem>>, vector<16xi32>,
    %mul3A_170 = arith.constant 3072 : i32
    %mul3A_171 = arith.muli %select_n3A, %mul3A_170 : i32
    %add3A_172 = vector.broadcast %mul3A_171 : i32 to vector<16xi32>
    %add3A_173 = arith.addi %get3A_169, %add3A_172 : vector<16xi32>
    %gather3A_174 = tpu.vector_load_idx %arg8[%add3A_173] : memref<6144xi32, #tpu.memory_space<vmem>>[vector<16xi32>], vector<16xi32>,
    %mul3A_175 = arith.constant 2304 : i32
    %mul3A_176 = arith.muli %select_n3A, %mul3A_175 : i32
    %add3A_177 = vector.broadcast %mul3A_176 : i32 to vector<16xi32>
    %add3A_178 = arith.addi %gather3A_174, %add3A_177 : vector<16xi32>
    %gather3A_179 = tpu.vector_load_idx %arg9[%add3A_178] : memref<4608xi32, #tpu.memory_space<vmem>>[vector<16xi32>], vector<16xi32>,
    %mul3A_180 = arith.constant 1728 : i32
    %mul3A_181 = arith.muli %select_n3A, %mul3A_180 : i32
    %add3A_182 = vector.broadcast %mul3A_181 : i32 to vector<16xi32>
    %add3A_183 = arith.addi %gather3A_179, %add3A_182 : vector<16xi32>
    %gather3A_184 = tpu.vector_load_idx %arg10[%add3A_183] : memref<3456xi32, #tpu.memory_space<vmem>>[vector<16xi32>], vector<16xi32>,
    %swap3A_185 = arith.constant 128 : index
    %swap3A_186 = tpu.vector_load %arg11[%swap3A_185] {strides = array<i32>} : memref<256xi32, #tpu.memory_space<vmem>>, vector<16xi32>,
    tpu.vector_store %arg11[%swap3A_185], %gather3A_184 {strides = array<i32>} : memref<256xi32, #tpu.memory_space<vmem>>, vector<16xi32>,
    %get3A_187 = arith.constant 144 : index
    %get3A_188 = tpu.vector_load %arg7[%get3A_187] {strides = array<i32>} : memref<256xi32, #tpu.memory_space<vmem>>, vector<16xi32>,
    %mul3A_189 = arith.constant 3072 : i32
    %mul3A_190 = arith.muli %select_n3A, %mul3A_189 : i32
    %add3A_191 = vector.broadcast %mul3A_190 : i32 to vector<16xi32>
    %add3A_192 = arith.addi %get3A_188, %add3A_191 : vector<16xi32>
    %gather3A_193 = tpu.vector_load_idx %arg8[%add3A_192] : memref<6144xi32, #tpu.memory_space<vmem>>[vector<16xi32>], vector<16xi32>,
    %mul3A_194 = arith.constant 2304 : i32
    %mul3A_195 = arith.muli %select_n3A, %mul3A_194 : i32
    %add3A_196 = vector.broadcast %mul3A_195 : i32 to vector<16xi32>
    %add3A_197 = arith.addi %gather3A_193, %add3A_196 : vector<16xi32>
    %gather3A_198 = tpu.vector_load_idx %arg9[%add3A_197] : memref<4608xi32, #tpu.memory_space<vmem>>[vector<16xi32>], vector<16xi32>,
    %mul3A_199 = arith.constant 1728 : i32
    %mul3A_200 = arith.muli %select_n3A, %mul3A_199 : i32
    %add3A_201 = vector.broadcast %mul3A_200 : i32 to vector<16xi32>
    %add3A_202 = arith.addi %gather3A_198, %add3A_201 : vector<16xi32>
    %gather3A_203 = tpu.vector_load_idx %arg10[%add3A_202] : memref<3456xi32, #tpu.memory_space<vmem>>[vector<16xi32>], vector<16xi32>,
    %swap3A_204 = arith.constant 144 : index
    %swap3A_205 = tpu.vector_load %arg11[%swap3A_204] {strides = array<i32>} : memref<256xi32, #tpu.memory_space<vmem>>, vector<16xi32>,
    tpu.vector_store %arg11[%swap3A_204], %gather3A_203 {strides = array<i32>} : memref<256xi32, #tpu.memory_space<vmem>>, vector<16xi32>,
    %get3A_206 = arith.constant 160 : index
    %get3A_207 = tpu.vector_load %arg7[%get3A_206] {strides = array<i32>} : memref<256xi32, #tpu.memory_space<vmem>>, vector<16xi32>,
    %mul3A_208 = arith.constant 3072 : i32
    %mul3A_209 = arith.muli %select_n3A, %mul3A_208 : i32
    %add3A_210 = vector.broadcast %mul3A_209 : i32 to vector<16xi32>
    %add3A_211 = arith.addi %get3A_207, %add3A_210 : vector<16xi32>
    %gather3A_212 = tpu.vector_load_idx %arg8[%add3A_211] : memref<6144xi32, #tpu.memory_space<vmem>>[vector<16xi32>], vector<16xi32>,
    %mul3A_213 = arith.constant 2304 : i32
    %mul3A_214 = arith.muli %select_n3A, %mul3A_213 : i32
    %add3A_215 = vector.broadcast %mul3A_214 : i32 to vector<16xi32>
    %add3A_216 = arith.addi %gather3A_212, %add3A_215 : vector<16xi32>
    %gather3A_217 = tpu.vector_load_idx %arg9[%add3A_216] : memref<4608xi32, #tpu.memory_space<vmem>>[vector<16xi32>], vector<16xi32>,
    %mul3A_218 = arith.constant 1728 : i32
    %mul3A_219 = arith.muli %select_n3A, %mul3A_218 : i32
    %add3A_220 = vector.broadcast %mul3A_219 : i32 to vector<16xi32>
    %add3A_221 = arith.addi %gather3A_217, %add3A_220 : vector<16xi32>
    %gather3A_222 = tpu.vector_load_idx %arg10[%add3A_221] : memref<3456xi32, #tpu.memory_space<vmem>>[vector<16xi32>], vector<16xi32>,
    %swap3A_223 = arith.constant 160 : index
    %swap3A_224 = tpu.vector_load %arg11[%swap3A_223] {strides = array<i32>} : memref<256xi32, #tpu.memory_space<vmem>>, vector<16xi32>,
    tpu.vector_store %arg11[%swap3A_223], %gather3A_222 {strides = array<i32>} : memref<256xi32, #tpu.memory_space<vmem>>, vector<16xi32>,
    %get3A_225 = arith.constant 176 : index
    %get3A_226 = tpu.vector_load %arg7[%get3A_225] {strides = array<i32>} : memref<256xi32, #tpu.memory_space<vmem>>, vector<16xi32>,
    %mul3A_227 = arith.constant 3072 : i32
    %mul3A_228 = arith.muli %select_n3A, %mul3A_227 : i32
    %add3A_229 = vector.broadcast %mul3A_228 : i32 to vector<16xi32>
    %add3A_230 = arith.addi %get3A_226, %add3A_229 : vector<16xi32>
    %gather3A_231 = tpu.vector_load_idx %arg8[%add3A_230] : memref<6144xi32, #tpu.memory_space<vmem>>[vector<16xi32>], vector<16xi32>,
    %mul3A_232 = arith.constant 2304 : i32
    %mul3A_233 = arith.muli %select_n3A, %mul3A_232 : i32
    %add3A_234 = vector.broadcast %mul3A_233 : i32 to vector<16xi32>
    %add3A_235 = arith.addi %gather3A_231, %add3A_234 : vector<16xi32>
    %gather3A_236 = tpu.vector_load_idx %arg9[%add3A_235] : memref<4608xi32, #tpu.memory_space<vmem>>[vector<16xi32>], vector<16xi32>,
    %mul3A_237 = arith.constant 1728 : i32
    %mul3A_238 = arith.muli %select_n3A, %mul3A_237 : i32
    %add3A_239 = vector.broadcast %mul3A_238 : i32 to vector<16xi32>
    %add3A_240 = arith.addi %gather3A_236, %add3A_239 : vector<16xi32>
    %gather3A_241 = tpu.vector_load_idx %arg10[%add3A_240] : memref<3456xi32, #tpu.memory_space<vmem>>[vector<16xi32>], vector<16xi32>,
    %swap3A_242 = arith.constant 176 : index
    %swap3A_243 = tpu.vector_load %arg11[%swap3A_242] {strides = array<i32>} : memref<256xi32, #tpu.memory_space<vmem>>, vector<16xi32>,
    tpu.vector_store %arg11[%swap3A_242], %gather3A_241 {strides = array<i32>} : memref<256xi32, #tpu.memory_space<vmem>>, vector<16xi32>,
    %get3A_244 = arith.constant 192 : index
    %get3A_245 = tpu.vector_load %arg7[%get3A_244] {strides = array<i32>} : memref<256xi32, #tpu.memory_space<vmem>>, vector<16xi32>,
    %mul3A_246 = arith.constant 3072 : i32
    %mul3A_247 = arith.muli %select_n3A, %mul3A_246 : i32
    %add3A_248 = vector.broadcast %mul3A_247 : i32 to vector<16xi32>
    %add3A_249 = arith.addi %get3A_245, %add3A_248 : vector<16xi32>
    %gather3A_250 = tpu.vector_load_idx %arg8[%add3A_249] : memref<6144xi32, #tpu.memory_space<vmem>>[vector<16xi32>], vector<16xi32>,
    %mul3A_251 = arith.constant 2304 : i32
    %mul3A_252 = arith.muli %select_n3A, %mul3A_251 : i32
    %add3A_253 = vector.broadcast %mul3A_252 : i32 to vector<16xi32>
    %add3A_254 = arith.addi %gather3A_250, %add3A_253 : vector<16xi32>
    %gather3A_255 = tpu.vector_load_idx %arg9[%add3A_254] : memref<4608xi32, #tpu.memory_space<vmem>>[vector<16xi32>], vector<16xi32>,
    %mul3A_256 = arith.constant 1728 : i32
    %mul3A_257 = arith.muli %select_n3A, %mul3A_256 : i32
    %add3A_258 = vector.broadcast %mul3A_257 : i32 to vector<16xi32>
    %add3A_259 = arith.addi %gather3A_255, %add3A_258 : vector<16xi32>
    %gather3A_260 = tpu.vector_load_idx %arg10[%add3A_259] : memref<3456xi32, #tpu.memory_space<vmem>>[vector<16xi32>], vector<16xi32>,
    %swap3A_261 = arith.constant 192 : index
    %swap3A_262 = tpu.vector_load %arg11[%swap3A_261] {strides = array<i32>} : memref<256xi32, #tpu.memory_space<vmem>>, vector<16xi32>,
    tpu.vector_store %arg11[%swap3A_261], %gather3A_260 {strides = array<i32>} : memref<256xi32, #tpu.memory_space<vmem>>, vector<16xi32>,
    %get3A_263 = arith.constant 208 : index
    %get3A_264 = tpu.vector_load %arg7[%get3A_263] {strides = array<i32>} : memref<256xi32, #tpu.memory_space<vmem>>, vector<16xi32>,
    %mul3A_265 = arith.constant 3072 : i32
    %mul3A_266 = arith.muli %select_n3A, %mul3A_265 : i32
    %add3A_267 = vector.broadcast %mul3A_266 : i32 to vector<16xi32>
    %add3A_268 = arith.addi %get3A_264, %add3A_267 : vector<16xi32>
    %gather3A_269 = tpu.vector_load_idx %arg8[%add3A_268] : memref<6144xi32, #tpu.memory_space<vmem>>[vector<16xi32>], vector<16xi32>,
    %mul3A_270 = arith.constant 2304 : i32
    %mul3A_271 = arith.muli %select_n3A, %mul3A_270 : i32
    %add3A_272 = vector.broadcast %mul3A_271 : i32 to vector<16xi32>
    %add3A_273 = arith.addi %gather3A_269, %add3A_272 : vector<16xi32>
    %gather3A_274 = tpu.vector_load_idx %arg9[%add3A_273] : memref<4608xi32, #tpu.memory_space<vmem>>[vector<16xi32>], vector<16xi32>,
    %mul3A_275 = arith.constant 1728 : i32
    %mul3A_276 = arith.muli %select_n3A, %mul3A_275 : i32
    %add3A_277 = vector.broadcast %mul3A_276 : i32 to vector<16xi32>
    %add3A_278 = arith.addi %gather3A_274, %add3A_277 : vector<16xi32>
    %gather3A_279 = tpu.vector_load_idx %arg10[%add3A_278] : memref<3456xi32, #tpu.memory_space<vmem>>[vector<16xi32>], vector<16xi32>,
    %swap3A_280 = arith.constant 208 : index
    %swap3A_281 = tpu.vector_load %arg11[%swap3A_280] {strides = array<i32>} : memref<256xi32, #tpu.memory_space<vmem>>, vector<16xi32>,
    tpu.vector_store %arg11[%swap3A_280], %gather3A_279 {strides = array<i32>} : memref<256xi32, #tpu.memory_space<vmem>>, vector<16xi32>,
    %get3A_282 = arith.constant 224 : index
    %get3A_283 = tpu.vector_load %arg7[%get3A_282] {strides = array<i32>} : memref<256xi32, #tpu.memory_space<vmem>>, vector<16xi32>,
    %mul3A_284 = arith.constant 3072 : i32
    %mul3A_285 = arith.muli %select_n3A, %mul3A_284 : i32
    %add3A_286 = vector.broadcast %mul3A_285 : i32 to vector<16xi32>
    %add3A_287 = arith.addi %get3A_283, %add3A_286 : vector<16xi32>
    %gather3A_288 = tpu.vector_load_idx %arg8[%add3A_287] : memref<6144xi32, #tpu.memory_space<vmem>>[vector<16xi32>], vector<16xi32>,
    %mul3A_289 = arith.constant 2304 : i32
    %mul3A_290 = arith.muli %select_n3A, %mul3A_289 : i32
    %add3A_291 = vector.broadcast %mul3A_290 : i32 to vector<16xi32>
    %add3A_292 = arith.addi %gather3A_288, %add3A_291 : vector<16xi32>
    %gather3A_293 = tpu.vector_load_idx %arg9[%add3A_292] : memref<4608xi32, #tpu.memory_space<vmem>>[vector<16xi32>], vector<16xi32>,
    %mul3A_294 = arith.constant 1728 : i32
    %mul3A_295 = arith.muli %select_n3A, %mul3A_294 : i32
    %add3A_296 = vector.broadcast %mul3A_295 : i32 to vector<16xi32>
    %add3A_297 = arith.addi %gather3A_293, %add3A_296 : vector<16xi32>
    %gather3A_298 = tpu.vector_load_idx %arg10[%add3A_297] : memref<3456xi32, #tpu.memory_space<vmem>>[vector<16xi32>], vector<16xi32>,
    %swap3A_299 = arith.constant 224 : index
    %swap3A_300 = tpu.vector_load %arg11[%swap3A_299] {strides = array<i32>} : memref<256xi32, #tpu.memory_space<vmem>>, vector<16xi32>,
    tpu.vector_store %arg11[%swap3A_299], %gather3A_298 {strides = array<i32>} : memref<256xi32, #tpu.memory_space<vmem>>, vector<16xi32>,
    %get3A_301 = arith.constant 240 : index
    %get3A_302 = tpu.vector_load %arg7[%get3A_301] {strides = array<i32>} : memref<256xi32, #tpu.memory_space<vmem>>, vector<16xi32>,
    %mul3A_303 = arith.constant 3072 : i32
    %mul3A_304 = arith.muli %select_n3A, %mul3A_303 : i32
    %add3A_305 = vector.broadcast %mul3A_304 : i32 to vector<16xi32>
    %add3A_306 = arith.addi %get3A_302, %add3A_305 : vector<16xi32>
    %gather3A_307 = tpu.vector_load_idx %arg8[%add3A_306] : memref<6144xi32, #tpu.memory_space<vmem>>[vector<16xi32>], vector<16xi32>,
    %mul3A_308 = arith.constant 2304 : i32
    %mul3A_309 = arith.muli %select_n3A, %mul3A_308 : i32
    %add3A_310 = vector.broadcast %mul3A_309 : i32 to vector<16xi32>
    %add3A_311 = arith.addi %gather3A_307, %add3A_310 : vector<16xi32>
    %gather3A_312 = tpu.vector_load_idx %arg9[%add3A_311] : memref<4608xi32, #tpu.memory_space<vmem>>[vector<16xi32>], vector<16xi32>,
    %mul3A_313 = arith.constant 1728 : i32
    %mul3A_314 = arith.muli %select_n3A, %mul3A_313 : i32
    %add3A_315 = vector.broadcast %mul3A_314 : i32 to vector<16xi32>
    %add3A_316 = arith.addi %gather3A_312, %add3A_315 : vector<16xi32>
    %gather3A_317 = tpu.vector_load_idx %arg10[%add3A_316] : memref<3456xi32, #tpu.memory_space<vmem>>[vector<16xi32>], vector<16xi32>,
    %swap3A_318 = arith.constant 240 : index
    %swap3A_319 = tpu.vector_load %arg11[%swap3A_318] {strides = array<i32>} : memref<256xi32, #tpu.memory_space<vmem>>, vector<16xi32>,
    tpu.vector_store %arg11[%swap3A_318], %gather3A_317 {strides = array<i32>} : memref<256xi32, #tpu.memory_space<vmem>>, vector<16xi32>,
    "tpu.region"() ({
      %run_scoped3A = tpu.sem_alloc : memref<!tpu.dma_semaphore, #tpu.memory_space<semaphore_mem>>
      %dma_start3A = tpu.memref_slice %arg6[%mul3A_2] : memref<8192xi32, #tpu.memory_space<hbm>> -> memref<256xi32, #tpu.memory_space<hbm>>
      %dma_start3A_320 = tpu.memref_slice %arg6[%mul3A_2] : memref<8192xi32, #tpu.memory_space<hbm>> -> memref<256xi32, #tpu.memory_space<hbm>>
      tpu.enqueue_dma source(%arg11 : memref<256xi32, #tpu.memory_space<vmem>>) target(%dma_start3A_320 : memref<256xi32, #tpu.memory_space<hbm>>) target_semaphore(%run_scoped3A : memref<!tpu.dma_semaphore, #tpu.memory_space<semaphore_mem>>)
      %dma_wait3A = tpu.memref_slice %arg6[%mul3A_2] : memref<8192xi32, #tpu.memory_space<hbm>> -> memref<256xi32, #tpu.memory_space<hbm>>
      %dma_wait3A_321 = tpu.memref_slice %arg6[%mul3A_2] : memref<8192xi32, #tpu.memory_space<hbm>> -> memref<256xi32, #tpu.memory_space<hbm>>
      tpu.wait_dma2 semaphore(%run_scoped3A : memref<!tpu.dma_semaphore, #tpu.memory_space<semaphore_mem>>) src(%arg11 : memref<256xi32, #tpu.memory_space<vmem>>) dst(%dma_wait3A_321 : memref<256xi32, #tpu.memory_space<hbm>>)
      tpu.yield
    }) : () -> ()
    return
  }
}

module attributes {stable_mosaic.version = 14 : i64} {
  func.func @_onehot_kernel(%arg0: i32, %arg1: memref<1x1x512xi32, #tpu.memory_space<vmem>>, %arg2: memref<512x1296xf32, #tpu.memory_space<vmem>>) attributes {dimension_semantics = [#tpu.dimension_semantics<arbitrary>], iteration_bounds = array<i64: 16>, scalar_prefetch = 0 : i64, scratch_operands = 0 : i64, tpu.core_type = #tpu.core_type<tc>, window_params = [{transform_indices = @transform_0, window_bounds = array<i64: 1, 1, 512>}, {transform_indices = @transform_1, window_bounds = array<i64: 512, 1296>}]} {
    %get3A = arith.constant 0 : index
    %get3A_0 = arith.constant 0 : index
    %get3A_1 = arith.constant 0 : index
    %get3A_2 = vector.load %arg1[%get3A, %get3A_0, %get3A_1] : memref<1x1x512xi32, #tpu.memory_space<vmem>>, vector<1x1x512xi32>
    %get3A_3 = vector.shape_cast %get3A_2 : vector<1x1x512xi32> to vector<512xi32>
    %iota3A = tpu.iota {dimensions = array<i32: 1>} : vector<512x1296xi32>
    %broadcast_in_dim3A = vector.shape_cast %get3A_3 : vector<512xi32> to vector<512x1xi32>
    %eq3A = vector.broadcast %broadcast_in_dim3A : vector<512x1xi32> to vector<512x1296xi32>
    %eq3A_4 = arith.cmpi eq, %iota3A, %eq3A : vector<512x1296xi32>
    %convert_element_type3A = arith.extui %eq3A_4 : vector<512x1296xi1> to vector<512x1296xi32>
    %convert_element_type3A_5 = arith.sitofp %convert_element_type3A : vector<512x1296xi32> to vector<512x1296xf32>
    %swap3A = arith.constant 0 : index
    %swap3A_6 = arith.constant 0 : index
    %swap3A_7 = vector.load %arg2[%swap3A, %swap3A_6] : memref<512x1296xf32, #tpu.memory_space<vmem>>, vector<512x1296xf32>
    tpu.vector_store %arg2[%swap3A, %swap3A_6], %convert_element_type3A_5 {strides = array<i32>} : memref<512x1296xf32, #tpu.memory_space<vmem>>, vector<512x1296xf32>,
    return
  }
  func.func @transform_0(%arg0: i32) -> (i32, i32, i32) {
    %c0_i32 = arith.constant 0 : i32
    %c0_i32_0 = arith.constant 0 : i32
    %c0_i32_1 = arith.constant 0 : i32
    return %arg0, %c0_i32, %c0_i32_0 : i32, i32, i32
  }
  func.func @transform_1(%arg0: i32) -> (i32, i32) {
    %c0_i32 = arith.constant 0 : i32
    %c0_i32_0 = arith.constant 0 : i32
    return %arg0, %c0_i32 : i32, i32
  }
}

</mosaic_0001>

<sc_bundles>
// kernel: gather_offload_async_start.1
scs
__scs_entry_jumppad:
0x0: {  	(pc) =	sbr.rel $0x88, $3  }
0x1: {  	(tag) =	ssettag $0x0;
	lr =	simm.s32 $0x1  }
0x2: {  	[smem:$0x3F87] =	sst lr;
	_ =	strace $0xD0000000  }
0x3: {  	_ = 	snop  }
0x4: {  	_ = 	snop  }
0x5: {  	_ = 	snop  }
0x6: {  	_ = 	snop  }
0x7: {  	_ = 	snop  }
__scs_overlays_trampoline_lowered:
0x8: {  	[smem:$0x3F96] =	sst s0  }
0x9: {  	[smem:$0x3F97] =	sst s1  }
0xa: {  	[smem:$0x3F98] =	sst s2  }
0xb: {  	[smem:$0x3F99] =	sst s3  }
0xc: {  	[smem:$0x3F9A] =	sst s4  }
0xd: {  	[smem:$0x3F9B] =	sst s5  }
0xe: {  	[smem:$0x3F9C] =	sst s6  }
0xf: {  	[smem:$0x3F9D] =	sst s7  }
0x10: {  	[smem:$0x3F9E] =	sst s8  }
0x11: {  	[smem:$0x3F9F] =	sst s9;
	s0 =	simm.s32 @!p0 $0x0  }
0x12: {  	s1 =	sld [smem:$0x3F85];
	s0 =	simm.s32 @p0 $0x1  }
0x13: {  	[smem:$0x3FA0] =	sst s0;
	s0 =	simm.s32 @!p1 $0x0  }
0x14: {  	s2 =	sld [smem:$0x3F84];
	s0 =	simm.s32 @p1 $0x1  }
0x15: {  	[smem:$0x3FA1] =	sst s0;
	s0 =	simm.s32 @!p2 $0x0  }
0x16: {  	s3 =	sld [smem:$0x3FDB];
	s0 =	simm.s32 @p2 $0x1  }
0x17: {  	s4 =	simm.s32 $0x1BF5;
	[smem:$0x3FA3] =	sst s0  }
0x18: {  	s0 =	sld [smem:$0x3F86];
	_ =	swait.ge [sflag:s4], $0x0  }
0x19: {  	s7 =	sld [smem:$0x3F87]  }
0x1a: {  	s8 =	sadd.s32 $0xFFFFE003, lr  }
0x1b: {  	s9 =	sadd.s32 $0xFFFFFEF7, lr;
	s5 =	simm.s32 $0xFFFFFFFF;
	p2 =	slt.u32 s8, $0xFFFFF086  }
0x1c: {  	p1 =	slt.u32 s9, $0xF7A;
	s5 =	simm.s32 @!p2 $0x0  }
0x1d: {  	s5 =	simm.s32 @p1 $0x1;
	p0 =	seq.s32 s7, s2  }
0x1e: {  	s7 =	smul.u32 @!p0 $0xF7A, s2;
	p2 =	seq.s32 @!p0 s5, $0x0  }
0x1f: {  	s9 =	smul.u32 $0xF7A, s1;
	s8 =	simm.s32 @!p0 $0x1BF5;
	p2 =	por !p2, p0  }
0x20: {  	[sflag:s8] =	ssyncset.s32 @!p0 $0xFFFFF086;
	s6 =	sadd.s32 @!p0 s3, s7;
	s7 =	simm.s32 @!p0 $0x108  }
0x21: {  	s3 =	sadd.s32 s3, s9;
	s6 =	sadd.s32 @!p0 $0x88, s6;
	s7 =	simm.s32 @p2 $0x1082  }
0x22: {  	[simem:s7], [sflag:s8] =	dma.local @!p0 [hbm:s6], $0xF7A  }
0x23: {  	s9 =	sor.u32 $0xD0000000, s2;
	s6 =	simm.s32 $0x108;
	_ =	swait.ge @!p0 [sflag:s8], $0x0  }
0x24: {  	s3 =	sadd.s32 $0x88, s3;
	s6 =	simm.s32 @!p1 $0x1082;
	[sflag:s4] =	ssyncset.s32 $0xFFFFF086  }
0x25: {  	[simem:s6], [sflag:s4] =	dma.local [hbm:s3], $0xF7A  }
0x26: {  	[smem:$0x3F87] =	sst s1;
	(tag) =	ssettag s2;
	_ =	strace s9  }
0x27: {  	s1 =	sld [smem:$0x3F97]  }
0x28: {  	s2 =	sld [smem:$0x3F98]  }
0x29: {  	s4 =	sld [smem:$0x3F9A]  }
0x2a: {  	p0 =	seq.s32 s5, $0x0;
	s5 =	sld [smem:$0x3F9B]  }
0x2b: {  	s6 =	sld [smem:$0x3F9C]  }
0x2c: {  	s7 =	sld [smem:$0x3F9D]  }
0x2d: {  	s3 =	simm.s32 $0x108;
	s8 =	sld [smem:$0x3F9E]  }
0x2e: {  	s3 =	simm.s32 @!p0 $0x1082;
	s9 =	sld [smem:$0x3F9F]  }
0x2f: {  	lr =	sadd.s32 s0, s3;
	s0 =	sld [smem:$0x3F96]  }
0x30: {  	s3 =	sld [smem:$0x3F99]  }
0x31: {  	[smem:$0x3FA2] =	sst s10  }
0x32: {  	s10 =	sld [smem:$0x3FA0];
	_ =	sdelay $0x3  }
0x33: {  	p0 =	seq.s32 s10, $0x1;
	s10 =	sld [smem:$0x3FA2];
	_ =	sdelay $0x3  }
0x34: {  	[smem:$0x3FA2] =	sst s10  }
0x35: {  	s10 =	sld [smem:$0x3FA1];
	_ =	sdelay $0x3  }
0x36: {  	p1 =	seq.s32 s10, $0x1;
	s10 =	sld [smem:$0x3FA2];
	_ =	sdelay $0x3  }
0x37: {  	[smem:$0x3FA2] =	sst s10  }
0x38: {  	s10 =	sld [smem:$0x3FA3]  }
0x39: {  	_ = 	snop;
	(pc) =	sbr.ind lr, $3  }
0x3a: {  	_ = 	snop  }
0x3b: {  	_ = 	snop  }
0x3c: {  	p2 =	seq.s32 s10, $0x1;
	s10 =	sld [smem:$0x3FA2]  }
0x3d: {  	_ =	shalt  }
0x3e: {  	_ =	shalt  }
0x3f: {  	_ =	shalt  }
0x40: {  	_ =	shalt  }
0x41: {  	_ =	shalt  }
0x42: {  	_ =	shalt  }
0x43: {  	_ =	shalt  }
0x44: {  	_ =	shalt  }
0x45: {  	_ =	shalt  }
0x46: {  	_ =	shalt  }
0x47: {  	_ =	shalt  }
0x48: {  	_ =	shalt  }
0x49: {  	_ =	shalt  }
0x4a: {  	_ =	shalt  }
0x4b: {  	_ =	shalt  }
0x4c: {  	_ =	shalt  }
0x4d: {  	_ =	shalt  }
0x4e: {  	_ =	shalt  }
0x4f: {  	_ =	shalt  }
0x50: {  	_ =	shalt  }
0x51: {  	_ =	shalt  }
0x52: {  	_ =	shalt  }
0x53: {  	_ =	shalt  }
0x54: {  	_ =	shalt  }
0x55: {  	_ =	shalt  }
0x56: {  	_ =	shalt  }
0x57: {  	_ =	shalt  }
0x58: {  	_ =	shalt  }
0x59: {  	_ =	shalt  }
0x5a: {  	_ =	shalt  }
0x5b: {  	_ =	shalt  }
0x5c: {  	_ =	shalt  }
0x5d: {  	_ =	shalt  }
0x5e: {  	_ =	shalt  }
0x5f: {  	_ =	shalt  }
0x60: {  	_ =	shalt  }
0x61: {  	_ =	shalt  }
0x62: {  	_ =	shalt  }
0x63: {  	_ =	shalt  }
0x64: {  	_ =	shalt  }
0x65: {  	_ =	shalt  }
0x66: {  	_ =	shalt  }
0x67: {  	_ =	shalt  }
0x68: {  	_ =	shalt  }
0x69: {  	_ =	shalt  }
0x6a: {  	_ =	shalt  }
0x6b: {  	_ =	shalt  }
0x6c: {  	_ =	shalt  }
0x6d: {  	_ =	shalt  }
0x6e: {  	_ =	shalt  }
0x6f: {  	_ =	shalt  }
0x70: {  	_ =	shalt  }
0x71: {  	_ =	shalt  }
0x72: {  	_ =	shalt  }
0x73: {  	_ =	shalt  }
0x74: {  	_ =	shalt  }
0x75: {  	_ =	shalt  }
0x76: {  	_ =	shalt  }
0x77: {  	_ =	shalt  }
0x78: {  	_ =	shalt  }
0x79: {  	_ =	shalt  }
0x7a: {  	_ =	shalt  }
0x7b: {  	_ =	shalt  }
0x7c: {  	_ =	shalt  }
0x7d: {  	_ =	shalt  }
0x7e: {  	_ =	shalt  }
0x7f: {  	_ =	shalt  }
0x80: {  	_ =	shalt  }
0x81: {  	_ =	shalt  }
0x82: {  	_ =	shalt  }
0x83: {  	_ =	shalt  }
0x84: {  	_ =	shalt  }
0x85: {  	_ =	shalt  }
0x86: {  	_ =	shalt  }
0x87: {  	_ =	shalt  }
.Lfunc_end0:
.L_simem_size_0:
called_computation.2_lowered:
.L_overlay_start_0:
0x88: {  	s2 =	sld [smem:$0x3FD9]  }
0x89: {  	s3 =	sld [smem:$0x3FFE];
	_ =	sdelay $0x1  }
0x8a: {  	s1 =	srdreg.scid  }
0x8b: {  	s0 =	sand.u32 $0x1, s1  }
0x8c: {  	s14 =	sshll.u32 s0, $0xA;
	s2 =	sadd.s32 s3, s2  }
0x8d: {  	s2 =	sadd.s32 s2, s14  }
0x8e: {  	[smem:$0x3FAE] =	sst s2  }
0x8f: {  	_ = 	snop  }
0x90: {  	s2 =	sld [smem:$0x3FD0];
	_ =	sdelay $0x2  }
0x91: {  	s15 =	simm.s32 $0xA;
	s4 =	simm.s32 $0x10  }
0x92: {  	[smem:s4], [sflag:s15] =	dma.local [hbm:s2], $0x1  }
0x93: {  	_ =	swait.eq [sflag:s15], $0x1  }
0x94: {  	[sflag:s15] =	ssyncset.done $0x0  }
0x95: {  	[sflag:s15] =	ssyncadd.s32 $0xFFFFFFFF  }
0x96: {  	s16 =	sld [smem:$0x10];
	(tm) =	ssettm $0x1  }
0x97: {  	s17 =	sld [smem:$0x3FFB];
	_ =	sdelay $0x3  }
0x98: {  	_ =	strace s17  }
0x99: {  	s3 =	sld [smem:$0x3FFC];
	_ =	sdelay $0x3  }
0x9a: {  	_ =	strace s3  }
0x9b: {  	s3 =	sld [smem:$0x3FFD];
	_ =	sdelay $0x3  }
0x9c: {  	_ =	strace s3  }
0x9d: {  	_ =	strace $0x8FFFFFFF  }
0x9e: {  	s18 =	sld [smem:$0x3FDB];
	_ =	sdelay $0x1  }
0x9f: {  	s19 =	simm.s32 $_scs_section_size  }
0xa0: {  	s5 =	simm.s32 $_size__tile_overlayer_lowered;
	s6 =	simm.s32 $_tile_overlayer_lowered  }
0xa1: {  	s22 =	simm.s32 $0x1BFF;
	s21 =	sshll.u32 s6, $0x1;
	s3 =	sadd.s32 s19, s18  }
0xa2: {  	s7 =	simm.s32 $0x0;
	s20 =	sshll.u32 s5, $0x1;
	s5 =	sadd.s32 s21, s3  }
0xa3: {  	[timem:s7], [sflag:s22] =	dma.local [hbm:s5], s20  }
0xa4: {  	_ =	swait.ge [sflag:s22], s20  }
0xa5: {  	s4 =	ssub.s32 $0x0, s20;
	[sflag:s22] =	ssyncset.done $0x0  }
0xa6: {  	[sflag:s22] =	ssyncadd.s32 s4;
	_ =	sdelay $0x1  }
0xa7: {  	s23 =	simm.s32 $0x1B8B  }
0xa8: {  	_ =	swait.ge [sflag:s23], $0x1  }
0xa9: {  	[sflag:s23] =	ssyncset.done $0x0  }
0xaa: {  	s25 =	simm.s32 $0x1B8E;
	s24 =	sld [smem:$0x3FFE];
	[sflag:s23] =	ssyncadd.s32 $0xFFFFFFFF  }
0xab: {  	s26 =	simm.s32 $execute0_lowered;
	[smem:$0x3FD2] =	sst s25  }
0xac: {  	s5 =	sshll.u32 s26, $0x1;
	_ =	strace $0x8000004C;
	[dreg:$0x1] =	wrdreg $0xFFFFFFFF  }
0xad: {  	s28 =	simm.s32 $_size_execute0_lowered;
	s3 =	sadd.s32 s3, s5;
	[dreg:$0x0] =	wrdreg $0x0  }
0xae: {  	s5 =	sshll.u32 s28, $0x1;
	[dreg:$0x2] =	wrdreg s3  }
0xaf: {  	[dreg:$0x3] =	wrdreg s5  }
0xb0: {  	[dreg:$0x4] =	wrdreg $0xC0  }
0xb1: {  	_ =	task [dreg:s7], $0x5FFFF  }
0xb2: {  	[dreg:$0x1] =	wrdreg $0xFFFFFFFF  }
0xb3: {  	[dreg:$0x0] =	wrdreg $0x60  }
0xb4: {  	[dreg:$0x2] =	wrdreg s16  }
0xb5: {  	[dreg:$0x3] =	wrdreg s24  }
0xb6: {  	[dreg:$0x4] =	wrdreg $0x9  }
0xb7: {  	_ =	task.clear_ibuf [dreg:s7], $0x5FFFF;
	_ =	strace $0x9000004C  }
0xb8: {  	s29 =	simm.s32 $0x9;
	_ =	strace $0x8000004E  }
0xb9: {  	_ =	swait.ge [sflag:s29], $0x1  }
0xba: {  	[sflag:s29] =	ssyncadd.s32 $0xFFFFFFFF  }
0xbb: {  	_ =	strace $0x9000004E  }
0xbc: {  	_ =	sfence  }
0xbd: {  	s30 =	sld [smem:$0x0];
	_ =	sdelay $0x2  }
0xbe: {  	s31 =	sshll.u32 s1, $0xD;
	s1 =	sshrl.u32 s1, $0x2  }
0xbf: {  	s3 =	sand.u32 $0x4000, s31;
	s1 =	sadd.s32 s1, s30  }
0xc0: {  	s0 =	sor.u32 s3, s0;
	s1 =	sshll.u32 s1, $0x11  }
0xc1: {  	s0 =	sor.u32 s1, s0  }
0xc2: {  	s0 =	sadd.s32 $0x8F2B, s0  }
0xc3: {  	[sflag:s0] =	ssyncadd.remote.s32 $0x1  }
0xc4: {  	_ =	sfence.sel $0xFFFF  }
0xc5: {  	[dreg:$0x0] =	wrdreg $0xFFFFFFFF;
	(pc) =	sbr.abs _section_cstart, $3  }
0xc6: {  	[dreg:$0x1] =	wrdreg $0xFFFFFFFF  }
0xc7: {  	_ =	task.clear_ibuf [dreg:s7], $0x2FFFF;
	_ =	strace $0x9FFFFFFF  }
0xc8: {  	(tm) =	ssettm $0x7FFFFFFF  }
0xc9: {  	_ =	shalt  }
tec
execute0_lowered:
.L_overlay_start_1:
0x0: {  	(tag) =	ssettag $0x1  }
0x1: {  	s1 =	srdreg.scid;
	s2 =	rddreg [dreg:$0x0]  }
0x2: {  	s0 =	stileid.u32;
	s8 =	rddreg [dreg:$0x1]  }
0x3: {  	s5 =	simm.s32 $0x1;
	s9 =	simm.s32 $0x1;
	s1 =	sshll.u32 s1, $0x5  }
0x4: {  	s10 =	simm.s32 $0x3;
	s3 =	sshll.u32 s0, $0x6;
	s4 =	sand.u32 $0x20, s1  }
0x5: {  	s13 =	simm.s32 $0x0;
	s12 =	simm.s32 $0x0;
	s3 =	sor.u32 s3, s4  }
0x6: {  	s1 =	rddreg [dreg:$0x2];
	_ =	strace $0x8000004D;
	s7 =	ssub.s32 $0x600, s3  }
.Ltmp0:
0x7: {  	s4 =	sadd.s32 $0x101800, s8;
	s6 =	sand.u32 $0x3E0, s7;
	(pc) =	sbr.rel .LBB2_1-.Ltmp0, $4  }
0x8: {  	[sflag:s5] =	ssyncpa.u1 $0x0;
	s8 =	sadd.s32 $0x78000, s8;
	p0 =	sne.s32 s6, $0x0  }
0x9: {  	s7 =	sshrl.u32 s7, $0xA;
	s6 =	simm.s32 $0x2;
	s9 =	simm.s32 @!p0 $0x0  }
0xa: {  	s11 =	smov.u32 s3;
	[sflag:s6] =	ssyncpa.u1 $0x0;
	s7 =	sadd.s32 s9, s7  }
0xb: {  	vm0 =	vmmov $0xffff;
	v0 =	vimm.s32 $0x0;
	[sflag:s10] =	ssyncpa.u1 $0x0;
	s10 =	simm.s32 $0x0;
	s9 =	sadd.s32 $0x1, s7  }
.LBB2_5:
0xc: {  	s15 =	sadd.s32 $0x400, s11  }
0xd: {  	p1 =	sgt.s32 s15, $0x5FF  }
0xe: {  	s15 =	smov.u32 @p1 s3;
	p1 =	sne.s32 s12, s9  }
.Ltmp1:
0xf: {  	p0 =	slt.u32 s12, $0x2;
	(pc) =	sbr.rel @!p1 .LBB2_6-.Ltmp1, $4  }
0x10: {  	s14 =	simm.s32 @!p0 $0x3  }
0x11: {  	_ =	swait.ge @!p0 [sflag:s14], $0x20  }
0x12: {  	s16 =	sadd.s32 $0x1, s12;
	s13 =	smov.u32 s11;
	[sflag:s14] =	ssyncset.done @!p0 $0x0  }
0x13: {  	s12 =	smov.u32 s16;
	s11 =	smov.u32 s15;
	[sflag:s14] =	ssyncadd.s32 @!p0 $0xFFFFFFE0  }
.LBB2_1:
0x14: {  	p0 =	sge.u32 s12, s7  }
0x15: {  	s14 =	sxor.u32 @!p0 $0xFFFFFFFF, s12  }
0x16: {  	s31 =	sadd.s32 $0xFFFFFFFF, s12;
	s15 =	sshrl.u32 @!p0 s11, $0x3;
	s14 =	sshll.u32 @!p0 s14, $0x5  }
0x17: {  	s16 =	sand.u32 @!p0 $0x7, s11;
	s15 =	sadd.s32 @!p0 s4, s15;
	s14 =	sand.u32 @!p0 $0x20, s14  }
0x18: {  	[tilespmem:s14], [sflag:$0x2] =	stream.linear.gather @!p0 [hbm4b:s15+s16], $0x20, $0x38;
	[tilespmem:$0x80] =	vst v63  }
0x19: {  	p0 =	sge.u32 s31, s7  }
.Ltmp2:
0x1a: {  	_ = 	snop;
	(pc) =	sbr.rel @p0 .LBB2_5-.Ltmp2, $1  }
0x1b: {  	_ =	sdelay $0x3  }
0x1c: {  	_ =	swait.ge [sflag:s6], $0x20;
	s14 =	sshll.u32 s12, $0x5;
	s16 =	simm.s32 $0x0  }
0x1d: {  	p0 =	por $0x1, $0x1;
	[sflag:s6] =	ssyncset.done $0x0;
	s15 =	sand.u32 $0x20, s14  }
0x1e: {  	[sflag:s6] =	ssyncadd.s32 $0xFFFFFFE0;
	(ifvalue) =	ssetifvalue $0x7FFFFFFF;
	s14 =	sor.u32 $0x40, s15  }
.LBB2_3:
0x1f: {  	s17 =	sadd.s32 s16, s15  }
0x20: {  	v1 =	vld.msk [tilespmem:s17+$0x0 ss:$0x1], $0xffff;
	_ =	sdelay $0x4  }
0x21: {  	vm1 =	veq.s32 v1, $0x80000000;
	v2 =	vand.u32 $0x1, v1;
	v3 =	vshll.u32 v1, $0x6  }
0x22: {  	v1 =	vshrl.u32 v1, $0x9;
	vm2 =	veq.s32 v2, $0x1;
	v2 =	vand.u32 $0x7F80, v3  }
0x23: {  	v1 =	vand.u32 $0x7, v1;
	v3 =	vsel vm2, $0x6000, v0;
	v2 =	vsel vm1, $0xFFFFFF80, v2  }
0x24: {  	v1 =	vsel vm1, $0xFFFFFFFF, v1;
	v3 =	vsel vm1, $0xFFFFA000, v3;
	v4 =	vand.u32 $0xFFFFFC00, v2  }
0x25: {  	v63 =	vand.u32 $0xFFFFFC00, v1;
	v3 =	vadd.s32 v3, v4  }
0x26: {  	v2 =	vand.u32 $0x380, v2;
	v3 =	vadd.s32 v63, v3  }
0x27: {  	v1 =	vand.u32 $0x7F, v1;
	v2 =	vor.u32 v2, v3  }
0x28: {  	p1 =	por p0, p0;
	v1 =	vor.u32 v1, v2  }
.Ltmp3:
0x29: {  	_ = 	snop;
	(pc) =	sbr.rel @p1 .LBB2_3-.Ltmp3, $4  }
0x2a: {  	_ = 	snop  }
0x2b: {  	s31 =	sadd.s32 s16, s14  }
0x2c: {  	s16 =	simm.s32 $0x10;
	p0 =	por $0x0, $0x0;
	(ifvalue) =	ssetifvalue $0x7FFFFFFF  }
0x2d: {  	[tilespmem:s31], [sflag:$0x1] =	stream.indirect_vreg.gather [hbm4b:s2+s10], $0x1, v1, vm0, $0x4038;
	[tilespmem:$0x80] =	vst v63  }
.Ltmp4:
0x2e: {  	(pc) =	sbr.rel .LBB2_5-.Ltmp4, $4  }
0x2f: {  	_ =	swait.ge [sflag:s5], $0x20  }
0x30: {  	s15 =	sshrl.u32 s13, $0x3;
	[sflag:s5] =	ssyncset.done $0x0  }
0x31: {  	s31 =	sand.u32 $0x7, s13;
	s15 =	sadd.s32 s8, s15;
	[sflag:s5] =	ssyncadd.s32 $0xFFFFFFE0  }
0x32: {  	[hbm4b:s15+s31] =	stream.linear.scatter [tilespmem:s14], [sflag:$0x3], $0x20, $0x38;
	[tilespmem:$0x80] =	vst v63  }
.LBB2_6:
0x33: {  	_ =	sfence.sel $0x180000  }
0x34: {  	s2 =	simm.s32 $0x2;
	[bflag:$0x0] =	sbarrier.arrive $0xFFFF  }
0x35: {  	s30 =	simm.s32 $0x3;
	[sflag:s2] =	ssyncpa.u1 $0x1  }
0x36: {  	s31 =	simm.s32 $0x1;
	[sflag:s30] =	ssyncpa.u1 $0x1  }
0x37: {  	[sflag:s31] =	ssyncpa.u1 $0x1  }
0x38: {  	p0 =	sne.s32 s0, $0x0;
	_ =	strace $0x9000004D  }
0x39: {  	s0 =	sadd.s32 @!p0 $0x100000, s1;
	[bflag:$0x2] =	sbarrier.arrive $0xFFFF  }
0x3a: {  	[sflag:s0] =	ssyncadd.tile.s32 @!p0 $0x1;
	_ =	shalt  }
.Lfunc_end2:
_tile_overlayer_lowered:
.L_overlay_start_2:
0x3b: {  	(tag) =	ssettag $0x2  }
0x3c: {  	s0 =	rddreg [dreg:$0x0];
	s2 =	stileid.u32  }
0x3d: {  	s1 =	rddreg [dreg:$0x1];
	p0 =	sne.s32 s2, $0x0  }
0x3e: {  	s3 =	rddreg [dreg:$0x2];
	[bflag:$0x3] =	sbarrier.arrive $0xFFFF;
	s2 =	simm.s32 @!p0 $0x1C01  }
0x3f: {  	[timem:s3], [sflag:s2] =	dma.local @!p0 [hbm:s0], s1  }
0x40: {  	s0 =	simm.s32 @!p0 $0x1  }
0x41: {  	_ =	swait.ge @!p0 [sflag:s0], s1  }
0x42: {  	s1 =	ssub.s32 @!p0 $0x0, s1;
	[sflag:s0] =	ssyncset.done @!p0 $0x0  }
0x43: {  	[sflag:s0] =	ssyncadd.s32 @!p0 s1  }
0x44: {  	[bflag:$0x3] =	sbarrier.arrive $0xFFFF  }
0x45: {  	_ =	shalt  }

// kernel: gather_offload_async_start.2
scs
__scs_entry_jumppad:
0x0: {  	(pc) =	sbr.rel $0x88, $3  }
0x1: {  	(tag) =	ssettag $0x0;
	lr =	simm.s32 $0x1  }
0x2: {  	[smem:$0x3F87] =	sst lr;
	_ =	strace $0xD0000000  }
0x3: {  	_ = 	snop  }
0x4: {  	_ = 	snop  }
0x5: {  	_ = 	snop  }
0x6: {  	_ = 	snop  }
0x7: {  	_ = 	snop  }
__scs_overlays_trampoline_lowered:
0x8: {  	[smem:$0x3F96] =	sst s0  }
0x9: {  	[smem:$0x3F97] =	sst s1  }
0xa: {  	[smem:$0x3F98] =	sst s2  }
0xb: {  	[smem:$0x3F99] =	sst s3  }
0xc: {  	[smem:$0x3F9A] =	sst s4  }
0xd: {  	[smem:$0x3F9B] =	sst s5  }
0xe: {  	[smem:$0x3F9C] =	sst s6  }
0xf: {  	[smem:$0x3F9D] =	sst s7  }
0x10: {  	[smem:$0x3F9E] =	sst s8  }
0x11: {  	[smem:$0x3F9F] =	sst s9;
	s0 =	simm.s32 @!p0 $0x0  }
0x12: {  	s1 =	sld [smem:$0x3F85];
	s0 =	simm.s32 @p0 $0x1  }
0x13: {  	[smem:$0x3FA0] =	sst s0;
	s0 =	simm.s32 @!p1 $0x0  }
0x14: {  	s2 =	sld [smem:$0x3F84];
	s0 =	simm.s32 @p1 $0x1  }
0x15: {  	[smem:$0x3FA1] =	sst s0;
	s0 =	simm.s32 @!p2 $0x0  }
0x16: {  	s3 =	sld [smem:$0x3FDB];
	s0 =	simm.s32 @p2 $0x1  }
0x17: {  	s4 =	simm.s32 $0x1BF5;
	[smem:$0x3FA3] =	sst s0  }
0x18: {  	s0 =	sld [smem:$0x3F86];
	_ =	swait.ge [sflag:s4], $0x0  }
0x19: {  	s7 =	sld [smem:$0x3F87]  }
0x1a: {  	s8 =	sadd.s32 $0xFFFFE003, lr  }
0x1b: {  	s9 =	sadd.s32 $0xFFFFFEF7, lr;
	s5 =	simm.s32 $0xFFFFFFFF;
	p2 =	slt.u32 s8, $0xFFFFF086  }
0x1c: {  	p1 =	slt.u32 s9, $0xF7A;
	s5 =	simm.s32 @!p2 $0x0  }
0x1d: {  	s5 =	simm.s32 @p1 $0x1;
	p0 =	seq.s32 s7, s2  }
0x1e: {  	s7 =	smul.u32 @!p0 $0xF7A, s2;
	p2 =	seq.s32 @!p0 s5, $0x0  }
0x1f: {  	s9 =	smul.u32 $0xF7A, s1;
	s8 =	simm.s32 @!p0 $0x1BF5;
	p2 =	por !p2, p0  }
0x20: {  	[sflag:s8] =	ssyncset.s32 @!p0 $0xFFFFF086;
	s6 =	sadd.s32 @!p0 s3, s7;
	s7 =	simm.s32 @!p0 $0x108  }
0x21: {  	s3 =	sadd.s32 s3, s9;
	s6 =	sadd.s32 @!p0 $0x88, s6;
	s7 =	simm.s32 @p2 $0x1082  }
0x22: {  	[simem:s7], [sflag:s8] =	dma.local @!p0 [hbm:s6], $0xF7A  }
0x23: {  	s9 =	sor.u32 $0xD0000000, s2;
	s6 =	simm.s32 $0x108;
	_ =	swait.ge @!p0 [sflag:s8], $0x0  }
0x24: {  	s3 =	sadd.s32 $0x88, s3;
	s6 =	simm.s32 @!p1 $0x1082;
	[sflag:s4] =	ssyncset.s32 $0xFFFFF086  }
0x25: {  	[simem:s6], [sflag:s4] =	dma.local [hbm:s3], $0xF7A  }
0x26: {  	[smem:$0x3F87] =	sst s1;
	(tag) =	ssettag s2;
	_ =	strace s9  }
0x27: {  	s1 =	sld [smem:$0x3F97]  }
0x28: {  	s2 =	sld [smem:$0x3F98]  }
0x29: {  	s4 =	sld [smem:$0x3F9A]  }
0x2a: {  	p0 =	seq.s32 s5, $0x0;
	s5 =	sld [smem:$0x3F9B]  }
0x2b: {  	s6 =	sld [smem:$0x3F9C]  }
0x2c: {  	s7 =	sld [smem:$0x3F9D]  }
0x2d: {  	s3 =	simm.s32 $0x108;
	s8 =	sld [smem:$0x3F9E]  }
0x2e: {  	s3 =	simm.s32 @!p0 $0x1082;
	s9 =	sld [smem:$0x3F9F]  }
0x2f: {  	lr =	sadd.s32 s0, s3;
	s0 =	sld [smem:$0x3F96]  }
0x30: {  	s3 =	sld [smem:$0x3F99]  }
0x31: {  	[smem:$0x3FA2] =	sst s10  }
0x32: {  	s10 =	sld [smem:$0x3FA0];
	_ =	sdelay $0x3  }
0x33: {  	p0 =	seq.s32 s10, $0x1;
	s10 =	sld [smem:$0x3FA2];
	_ =	sdelay $0x3  }
0x34: {  	[smem:$0x3FA2] =	sst s10  }
0x35: {  	s10 =	sld [smem:$0x3FA1];
	_ =	sdelay $0x3  }
0x36: {  	p1 =	seq.s32 s10, $0x1;
	s10 =	sld [smem:$0x3FA2];
	_ =	sdelay $0x3  }
0x37: {  	[smem:$0x3FA2] =	sst s10  }
0x38: {  	s10 =	sld [smem:$0x3FA3]  }
0x39: {  	_ = 	snop;
	(pc) =	sbr.ind lr, $3  }
0x3a: {  	_ = 	snop  }
0x3b: {  	_ = 	snop  }
0x3c: {  	p2 =	seq.s32 s10, $0x1;
	s10 =	sld [smem:$0x3FA2]  }
0x3d: {  	_ =	shalt  }
0x3e: {  	_ =	shalt  }
0x3f: {  	_ =	shalt  }
0x40: {  	_ =	shalt  }
0x41: {  	_ =	shalt  }
0x42: {  	_ =	shalt  }
0x43: {  	_ =	shalt  }
0x44: {  	_ =	shalt  }
0x45: {  	_ =	shalt  }
0x46: {  	_ =	shalt  }
0x47: {  	_ =	shalt  }
0x48: {  	_ =	shalt  }
0x49: {  	_ =	shalt  }
0x4a: {  	_ =	shalt  }
0x4b: {  	_ =	shalt  }
0x4c: {  	_ =	shalt  }
0x4d: {  	_ =	shalt  }
0x4e: {  	_ =	shalt  }
0x4f: {  	_ =	shalt  }
0x50: {  	_ =	shalt  }
0x51: {  	_ =	shalt  }
0x52: {  	_ =	shalt  }
0x53: {  	_ =	shalt  }
0x54: {  	_ =	shalt  }
0x55: {  	_ =	shalt  }
0x56: {  	_ =	shalt  }
0x57: {  	_ =	shalt  }
0x58: {  	_ =	shalt  }
0x59: {  	_ =	shalt  }
0x5a: {  	_ =	shalt  }
0x5b: {  	_ =	shalt  }
0x5c: {  	_ =	shalt  }
0x5d: {  	_ =	shalt  }
0x5e: {  	_ =	shalt  }
0x5f: {  	_ =	shalt  }
0x60: {  	_ =	shalt  }
0x61: {  	_ =	shalt  }
0x62: {  	_ =	shalt  }
0x63: {  	_ =	shalt  }
0x64: {  	_ =	shalt  }
0x65: {  	_ =	shalt  }
0x66: {  	_ =	shalt  }
0x67: {  	_ =	shalt  }
0x68: {  	_ =	shalt  }
0x69: {  	_ =	shalt  }
0x6a: {  	_ =	shalt  }
0x6b: {  	_ =	shalt  }
0x6c: {  	_ =	shalt  }
0x6d: {  	_ =	shalt  }
0x6e: {  	_ =	shalt  }
0x6f: {  	_ =	shalt  }
0x70: {  	_ =	shalt  }
0x71: {  	_ =	shalt  }
0x72: {  	_ =	shalt  }
0x73: {  	_ =	shalt  }
0x74: {  	_ =	shalt  }
0x75: {  	_ =	shalt  }
0x76: {  	_ =	shalt  }
0x77: {  	_ =	shalt  }
0x78: {  	_ =	shalt  }
0x79: {  	_ =	shalt  }
0x7a: {  	_ =	shalt  }
0x7b: {  	_ =	shalt  }
0x7c: {  	_ =	shalt  }
0x7d: {  	_ =	shalt  }
0x7e: {  	_ =	shalt  }
0x7f: {  	_ =	shalt  }
0x80: {  	_ =	shalt  }
0x81: {  	_ =	shalt  }
0x82: {  	_ =	shalt  }
0x83: {  	_ =	shalt  }
0x84: {  	_ =	shalt  }
0x85: {  	_ =	shalt  }
0x86: {  	_ =	shalt  }
0x87: {  	_ =	shalt  }
.Lfunc_end0:
.L_simem_size_0:
called_computation.3_lowered:
.L_overlay_start_0:
0x88: {  	s2 =	sld [smem:$0x3FD9]  }
0x89: {  	s3 =	sld [smem:$0x3FFE];
	_ =	sdelay $0x1  }
0x8a: {  	s1 =	srdreg.scid  }
0x8b: {  	s0 =	sand.u32 $0x1, s1  }
0x8c: {  	s16 =	sshll.u32 s0, $0xA;
	s2 =	sadd.s32 s3, s2  }
0x8d: {  	s2 =	sadd.s32 s2, s16  }
0x8e: {  	[smem:$0x3FAE] =	sst s2  }
0x8f: {  	_ = 	snop  }
0x90: {  	(tm) =	ssettm $0x1  }
0x91: {  	s17 =	sld [smem:$0x3FFB];
	_ =	sdelay $0x3  }
0x92: {  	_ =	strace s17  }
0x93: {  	s2 =	sld [smem:$0x3FFC];
	_ =	sdelay $0x3  }
0x94: {  	_ =	strace s2  }
0x95: {  	s2 =	sld [smem:$0x3FFD];
	_ =	sdelay $0x3  }
0x96: {  	_ =	strace s2  }
0x97: {  	_ =	strace $0x8FFFFFFF  }
0x98: {  	s18 =	sld [smem:$0x3FDB];
	_ =	sdelay $0x1  }
0x99: {  	s19 =	simm.s32 $_scs_section_size  }
0x9a: {  	s4 =	simm.s32 $_size__tile_overlayer_lowered;
	s5 =	simm.s32 $_tile_overlayer_lowered  }
0x9b: {  	s22 =	simm.s32 $0x1BFF;
	s21 =	sshll.u32 s5, $0x1;
	s2 =	sadd.s32 s19, s18  }
0x9c: {  	s6 =	simm.s32 $0x0;
	s20 =	sshll.u32 s4, $0x1;
	s4 =	sadd.s32 s21, s2  }
0x9d: {  	[timem:s6], [sflag:s22] =	dma.local [hbm:s4], s20  }
0x9e: {  	_ =	swait.ge [sflag:s22], s20  }
0x9f: {  	s3 =	ssub.s32 $0x0, s20;
	[sflag:s22] =	ssyncset.done $0x0  }
0xa0: {  	[sflag:s22] =	ssyncadd.s32 s3;
	_ =	sdelay $0x1  }
0xa1: {  	s23 =	simm.s32 $0x1B8B  }
0xa2: {  	_ =	swait.ge [sflag:s23], $0x1  }
0xa3: {  	[sflag:s23] =	ssyncset.done $0x0  }
0xa4: {  	s25 =	simm.s32 $0x1B8E;
	s24 =	sld [smem:$0x3FFE];
	[sflag:s23] =	ssyncadd.s32 $0xFFFFFFFF  }
0xa5: {  	s26 =	simm.s32 $execute0_lowered;
	[smem:$0x3FD2] =	sst s25  }
0xa6: {  	s4 =	sshll.u32 s26, $0x1;
	_ =	strace $0x80000052;
	[dreg:$0x1] =	wrdreg $0xFFFFFFFF  }
0xa7: {  	s28 =	simm.s32 $_size_execute0_lowered;
	s2 =	sadd.s32 s2, s4;
	[dreg:$0x0] =	wrdreg $0x0  }
0xa8: {  	s4 =	sshll.u32 s28, $0x1;
	[dreg:$0x2] =	wrdreg s2  }
0xa9: {  	[dreg:$0x3] =	wrdreg s4  }
0xaa: {  	[dreg:$0x4] =	wrdreg $0xC0  }
0xab: {  	_ =	task [dreg:s6], $0x5FFFF  }
0xac: {  	[dreg:$0x1] =	wrdreg $0xFFFFFFFF  }
0xad: {  	[dreg:$0x0] =	wrdreg $0x60  }
0xae: {  	[dreg:$0x2] =	wrdreg s24  }
0xaf: {  	[dreg:$0x3] =	wrdreg $0x9  }
0xb0: {  	_ =	task.clear_ibuf [dreg:s6], $0x4FFFF;
	_ =	strace $0x90000052  }
0xb1: {  	s29 =	simm.s32 $0x9;
	_ =	strace $0x80000054  }
0xb2: {  	_ =	swait.ge [sflag:s29], $0x1  }
0xb3: {  	[sflag:s29] =	ssyncadd.s32 $0xFFFFFFFF  }
0xb4: {  	_ =	strace $0x90000054  }
0xb5: {  	_ =	sfence  }
0xb6: {  	s30 =	sld [smem:$0x0];
	_ =	sdelay $0x2  }
0xb7: {  	s31 =	sshll.u32 s1, $0xD;
	s1 =	sshrl.u32 s1, $0x2  }
0xb8: {  	s3 =	sand.u32 $0x4000, s31;
	s1 =	sadd.s32 s1, s30  }
0xb9: {  	s0 =	sor.u32 s3, s0;
	s1 =	sshll.u32 s1, $0x11  }
0xba: {  	s0 =	sor.u32 s1, s0  }
0xbb: {  	s0 =	sadd.s32 $0x8F2B, s0  }
0xbc: {  	[sflag:s0] =	ssyncadd.remote.s32 $0x1  }
0xbd: {  	_ =	sfence.sel $0xFFFF  }
0xbe: {  	[dreg:$0x0] =	wrdreg $0xFFFFFFFF;
	(pc) =	sbr.abs _section_cstart, $3  }
0xbf: {  	[dreg:$0x1] =	wrdreg $0xFFFFFFFF  }
0xc0: {  	_ =	task.clear_ibuf [dreg:s6], $0x2FFFF;
	_ =	strace $0x9FFFFFFF  }
0xc1: {  	(tm) =	ssettm $0x7FFFFFFF  }
tec
execute0_lowered:
.L_overlay_start_1:
0x0: {  	(tag) =	ssettag $0x1  }
0x1: {  	s1 =	srdreg.scid  }
0x2: {  	s0 =	stileid.u32;
	s2 =	rddreg [dreg:$0x0]  }
0x3: {  	s5 =	simm.s32 $0x1;
	s8 =	simm.s32 $0x1;
	s1 =	sshll.u32 s1, $0x5  }
0x4: {  	s9 =	simm.s32 $0x3;
	s3 =	sshll.u32 s0, $0x6;
	s4 =	sand.u32 $0x20, s1  }
0x5: {  	s10 =	simm.s32 $0x0;
	s13 =	simm.s32 $0x0;
	s3 =	sor.u32 s3, s4  }
0x6: {  	s12 =	simm.s32 $0x0;
	s1 =	rddreg [dreg:$0x1];
	s7 =	ssub.s32 $0x480, s3  }
.Ltmp0:
0x7: {  	_ =	strace $0x80000053;
	s6 =	sand.u32 $0x3E0, s7;
	(pc) =	sbr.rel .LBB2_1-.Ltmp0, $4  }
0x8: {  	s4 =	sadd.s32 $0x101400, s2;
	[sflag:s5] =	ssyncpa.u1 $0x0;
	p0 =	sne.s32 s6, $0x0  }
0x9: {  	s7 =	sshrl.u32 s7, $0xA;
	s6 =	simm.s32 $0x2;
	s8 =	simm.s32 @!p0 $0x0  }
0xa: {  	s11 =	smov.u32 s3;
	[sflag:s6] =	ssyncpa.u1 $0x0;
	s7 =	sadd.s32 s8, s7  }
0xb: {  	vm0 =	vmmov $0xffff;
	v0 =	vimm.s32 $0x0;
	s8 =	sadd.s32 $0x101600, s2;
	[sflag:s9] =	ssyncpa.u1 $0x0;
	s9 =	sadd.s32 $0x1, s7  }
.LBB2_5:
0xc: {  	s15 =	sadd.s32 $0x400, s11  }
0xd: {  	p1 =	sgt.s32 s15, $0x47F  }
0xe: {  	s15 =	smov.u32 @p1 s3;
	p1 =	sne.s32 s12, s9  }
.Ltmp1:
0xf: {  	p0 =	slt.u32 s12, $0x2;
	(pc) =	sbr.rel @!p1 .LBB2_6-.Ltmp1, $4  }
0x10: {  	s14 =	simm.s32 @!p0 $0x3  }
0x11: {  	_ =	swait.ge @!p0 [sflag:s14], $0x20  }
0x12: {  	s16 =	sadd.s32 $0x1, s12;
	s13 =	smov.u32 s11;
	[sflag:s14] =	ssyncset.done @!p0 $0x0  }
0x13: {  	s12 =	smov.u32 s16;
	s11 =	smov.u32 s15;
	[sflag:s14] =	ssyncadd.s32 @!p0 $0xFFFFFFE0  }
.LBB2_1:
0x14: {  	p0 =	sge.u32 s12, s7  }
0x15: {  	s14 =	sxor.u32 @!p0 $0xFFFFFFFF, s12  }
0x16: {  	s31 =	sadd.s32 $0xFFFFFFFF, s12;
	s15 =	sshrl.u32 @!p0 s11, $0x3;
	s14 =	sshll.u32 @!p0 s14, $0x5  }
0x17: {  	s16 =	sand.u32 @!p0 $0x7, s11;
	s15 =	sadd.s32 @!p0 s4, s15;
	s14 =	sand.u32 @!p0 $0x20, s14  }
0x18: {  	[tilespmem:s14], [sflag:$0x2] =	stream.linear.gather @!p0 [hbm4b:s15+s16], $0x20, $0x38;
	[tilespmem:$0x80] =	vst v63  }
0x19: {  	p0 =	sge.u32 s31, s7  }
.Ltmp2:
0x1a: {  	_ = 	snop;
	(pc) =	sbr.rel @p0 .LBB2_5-.Ltmp2, $1  }
0x1b: {  	_ =	sdelay $0x3  }
0x1c: {  	_ =	swait.ge [sflag:s6], $0x20;
	s14 =	sshll.u32 s12, $0x5;
	s16 =	simm.s32 $0x0  }
0x1d: {  	p0 =	por $0x1, $0x1;
	[sflag:s6] =	ssyncset.done $0x0;
	s15 =	sand.u32 $0x20, s14  }
0x1e: {  	[sflag:s6] =	ssyncadd.s32 $0xFFFFFFE0;
	(ifvalue) =	ssetifvalue $0x7FFFFFFF;
	s14 =	sor.u32 $0x40, s15  }
.LBB2_3:
0x1f: {  	s17 =	sadd.s32 s16, s15  }
0x20: {  	v1 =	vld.msk [tilespmem:s17+$0x0 ss:$0x1], $0xffff;
	_ =	sdelay $0x4  }
0x21: {  	vm1 =	veq.s32 v1, $0x80000000;
	v2 =	vand.u32 $0x1, v1;
	v3 =	vshll.u32 v1, $0x6  }
0x22: {  	v1 =	vshrl.u32 v1, $0x9;
	vm2 =	veq.s32 v2, $0x1;
	v2 =	vand.u32 $0x7F80, v3  }
0x23: {  	v1 =	vand.u32 $0x7, v1;
	v3 =	vsel vm2, $0x4800, v0;
	v2 =	vsel vm1, $0xFFFFFF80, v2  }
0x24: {  	v1 =	vsel vm1, $0xFFFFFFFF, v1;
	v3 =	vsel vm1, $0xFFFFB800, v3;
	v4 =	vand.u32 $0xFFFFFC00, v2  }
0x25: {  	v63 =	vand.u32 $0xFFFFFC00, v1;
	v3 =	vadd.s32 v3, v4  }
0x26: {  	v2 =	vand.u32 $0x380, v2;
	v3 =	vadd.s32 v63, v3  }
0x27: {  	v1 =	vand.u32 $0x7F, v1;
	v2 =	vor.u32 v2, v3  }
0x28: {  	p1 =	por p0, p0;
	v1 =	vor.u32 v1, v2  }
.Ltmp3:
0x29: {  	_ = 	snop;
	(pc) =	sbr.rel @p1 .LBB2_3-.Ltmp3, $4  }
0x2a: {  	_ = 	snop  }
0x2b: {  	s31 =	sadd.s32 s16, s14  }
0x2c: {  	s16 =	simm.s32 $0x10;
	p0 =	por $0x0, $0x0;
	(ifvalue) =	ssetifvalue $0x7FFFFFFF  }
0x2d: {  	[tilespmem:s31], [sflag:$0x1] =	stream.indirect_vreg.gather [hbm4b:s2+s10], $0x1, v1, vm0, $0x4038;
	[tilespmem:$0x80] =	vst v63  }
.Ltmp4:
0x2e: {  	(pc) =	sbr.rel .LBB2_5-.Ltmp4, $4  }
0x2f: {  	_ =	swait.ge [sflag:s5], $0x20  }
0x30: {  	s15 =	sshrl.u32 s13, $0x3;
	[sflag:s5] =	ssyncset.done $0x0  }
0x31: {  	s31 =	sand.u32 $0x7, s13;
	s15 =	sadd.s32 s8, s15;
	[sflag:s5] =	ssyncadd.s32 $0xFFFFFFE0  }
0x32: {  	[hbm4b:s15+s31] =	stream.linear.scatter [tilespmem:s14], [sflag:$0x3], $0x20, $0x38;
	[tilespmem:$0x80] =	vst v63  }
.LBB2_6:
0x33: {  	_ =	sfence.sel $0x180000  }
0x34: {  	s2 =	simm.s32 $0x2;
	[bflag:$0x0] =	sbarrier.arrive $0xFFFF  }
0x35: {  	s30 =	simm.s32 $0x3;
	[sflag:s2] =	ssyncpa.u1 $0x1  }
0x36: {  	s31 =	simm.s32 $0x1;
	[sflag:s30] =	ssyncpa.u1 $0x1  }
0x37: {  	[sflag:s31] =	ssyncpa.u1 $0x1  }
0x38: {  	p0 =	sne.s32 s0, $0x0;
	_ =	strace $0x90000053  }
0x39: {  	s0 =	sadd.s32 @!p0 $0x100000, s1;
	[bflag:$0x2] =	sbarrier.arrive $0xFFFF  }
0x3a: {  	[sflag:s0] =	ssyncadd.tile.s32 @!p0 $0x1;
	_ =	shalt  }
.Lfunc_end2:
_tile_overlayer_lowered:
.L_overlay_start_2:
0x3b: {  	(tag) =	ssettag $0x2  }
0x3c: {  	s0 =	rddreg [dreg:$0x0];
	s2 =	stileid.u32  }
0x3d: {  	s1 =	rddreg [dreg:$0x1];
	p0 =	sne.s32 s2, $0x0  }
0x3e: {  	s3 =	rddreg [dreg:$0x2];
	[bflag:$0x3] =	sbarrier.arrive $0xFFFF;
	s2 =	simm.s32 @!p0 $0x1C01  }
0x3f: {  	[timem:s3], [sflag:s2] =	dma.local @!p0 [hbm:s0], s1  }
0x40: {  	s0 =	simm.s32 @!p0 $0x1  }
0x41: {  	_ =	swait.ge @!p0 [sflag:s0], s1  }
0x42: {  	s1 =	ssub.s32 @!p0 $0x0, s1;
	[sflag:s0] =	ssyncset.done @!p0 $0x0  }
0x43: {  	[sflag:s0] =	ssyncadd.s32 @!p0 s1  }
0x44: {  	[bflag:$0x3] =	sbarrier.arrive $0xFFFF  }
0x45: {  	_ =	shalt  }

// kernel: gather_offload_async_start.3
scs
__scs_entry_jumppad:
0x0: {  	(pc) =	sbr.rel $0x88, $3  }
0x1: {  	(tag) =	ssettag $0x0;
	lr =	simm.s32 $0x1  }
0x2: {  	[smem:$0x3F87] =	sst lr;
	_ =	strace $0xD0000000  }
0x3: {  	_ = 	snop  }
0x4: {  	_ = 	snop  }
0x5: {  	_ = 	snop  }
0x6: {  	_ = 	snop  }
0x7: {  	_ = 	snop  }
__scs_overlays_trampoline_lowered:
0x8: {  	[smem:$0x3F96] =	sst s0  }
0x9: {  	[smem:$0x3F97] =	sst s1  }
0xa: {  	[smem:$0x3F98] =	sst s2  }
0xb: {  	[smem:$0x3F99] =	sst s3  }
0xc: {  	[smem:$0x3F9A] =	sst s4  }
0xd: {  	[smem:$0x3F9B] =	sst s5  }
0xe: {  	[smem:$0x3F9C] =	sst s6  }
0xf: {  	[smem:$0x3F9D] =	sst s7  }
0x10: {  	[smem:$0x3F9E] =	sst s8  }
0x11: {  	[smem:$0x3F9F] =	sst s9;
	s0 =	simm.s32 @!p0 $0x0  }
0x12: {  	s1 =	sld [smem:$0x3F85];
	s0 =	simm.s32 @p0 $0x1  }
0x13: {  	[smem:$0x3FA0] =	sst s0;
	s0 =	simm.s32 @!p1 $0x0  }
0x14: {  	s2 =	sld [smem:$0x3F84];
	s0 =	simm.s32 @p1 $0x1  }
0x15: {  	[smem:$0x3FA1] =	sst s0;
	s0 =	simm.s32 @!p2 $0x0  }
0x16: {  	s3 =	sld [smem:$0x3FDB];
	s0 =	simm.s32 @p2 $0x1  }
0x17: {  	s4 =	simm.s32 $0x1BF5;
	[smem:$0x3FA3] =	sst s0  }
0x18: {  	s0 =	sld [smem:$0x3F86];
	_ =	swait.ge [sflag:s4], $0x0  }
0x19: {  	s7 =	sld [smem:$0x3F87]  }
0x1a: {  	s8 =	sadd.s32 $0xFFFFE003, lr  }
0x1b: {  	s9 =	sadd.s32 $0xFFFFFEF7, lr;
	s5 =	simm.s32 $0xFFFFFFFF;
	p2 =	slt.u32 s8, $0xFFFFF086  }
0x1c: {  	p1 =	slt.u32 s9, $0xF7A;
	s5 =	simm.s32 @!p2 $0x0  }
0x1d: {  	s5 =	simm.s32 @p1 $0x1;
	p0 =	seq.s32 s7, s2  }
0x1e: {  	s7 =	smul.u32 @!p0 $0xF7A, s2;
	p2 =	seq.s32 @!p0 s5, $0x0  }
0x1f: {  	s9 =	smul.u32 $0xF7A, s1;
	s8 =	simm.s32 @!p0 $0x1BF5;
	p2 =	por !p2, p0  }
0x20: {  	[sflag:s8] =	ssyncset.s32 @!p0 $0xFFFFF086;
	s6 =	sadd.s32 @!p0 s3, s7;
	s7 =	simm.s32 @!p0 $0x108  }
0x21: {  	s3 =	sadd.s32 s3, s9;
	s6 =	sadd.s32 @!p0 $0x88, s6;
	s7 =	simm.s32 @p2 $0x1082  }
0x22: {  	[simem:s7], [sflag:s8] =	dma.local @!p0 [hbm:s6], $0xF7A  }
0x23: {  	s9 =	sor.u32 $0xD0000000, s2;
	s6 =	simm.s32 $0x108;
	_ =	swait.ge @!p0 [sflag:s8], $0x0  }
0x24: {  	s3 =	sadd.s32 $0x88, s3;
	s6 =	simm.s32 @!p1 $0x1082;
	[sflag:s4] =	ssyncset.s32 $0xFFFFF086  }
0x25: {  	[simem:s6], [sflag:s4] =	dma.local [hbm:s3], $0xF7A  }
0x26: {  	[smem:$0x3F87] =	sst s1;
	(tag) =	ssettag s2;
	_ =	strace s9  }
0x27: {  	s1 =	sld [smem:$0x3F97]  }
0x28: {  	s2 =	sld [smem:$0x3F98]  }
0x29: {  	s4 =	sld [smem:$0x3F9A]  }
0x2a: {  	p0 =	seq.s32 s5, $0x0;
	s5 =	sld [smem:$0x3F9B]  }
0x2b: {  	s6 =	sld [smem:$0x3F9C]  }
0x2c: {  	s7 =	sld [smem:$0x3F9D]  }
0x2d: {  	s3 =	simm.s32 $0x108;
	s8 =	sld [smem:$0x3F9E]  }
0x2e: {  	s3 =	simm.s32 @!p0 $0x1082;
	s9 =	sld [smem:$0x3F9F]  }
0x2f: {  	lr =	sadd.s32 s0, s3;
	s0 =	sld [smem:$0x3F96]  }
0x30: {  	s3 =	sld [smem:$0x3F99]  }
0x31: {  	[smem:$0x3FA2] =	sst s10  }
0x32: {  	s10 =	sld [smem:$0x3FA0];
	_ =	sdelay $0x3  }
0x33: {  	p0 =	seq.s32 s10, $0x1;
	s10 =	sld [smem:$0x3FA2];
	_ =	sdelay $0x3  }
0x34: {  	[smem:$0x3FA2] =	sst s10  }
0x35: {  	s10 =	sld [smem:$0x3FA1];
	_ =	sdelay $0x3  }
0x36: {  	p1 =	seq.s32 s10, $0x1;
	s10 =	sld [smem:$0x3FA2];
	_ =	sdelay $0x3  }
0x37: {  	[smem:$0x3FA2] =	sst s10  }
0x38: {  	s10 =	sld [smem:$0x3FA3]  }
0x39: {  	_ = 	snop;
	(pc) =	sbr.ind lr, $3  }
0x3a: {  	_ = 	snop  }
0x3b: {  	_ = 	snop  }
0x3c: {  	p2 =	seq.s32 s10, $0x1;
	s10 =	sld [smem:$0x3FA2]  }
0x3d: {  	_ =	shalt  }
0x3e: {  	_ =	shalt  }
0x3f: {  	_ =	shalt  }
0x40: {  	_ =	shalt  }
0x41: {  	_ =	shalt  }
0x42: {  	_ =	shalt  }
0x43: {  	_ =	shalt  }
0x44: {  	_ =	shalt  }
0x45: {  	_ =	shalt  }
0x46: {  	_ =	shalt  }
0x47: {  	_ =	shalt  }
0x48: {  	_ =	shalt  }
0x49: {  	_ =	shalt  }
0x4a: {  	_ =	shalt  }
0x4b: {  	_ =	shalt  }
0x4c: {  	_ =	shalt  }
0x4d: {  	_ =	shalt  }
0x4e: {  	_ =	shalt  }
0x4f: {  	_ =	shalt  }
0x50: {  	_ =	shalt  }
0x51: {  	_ =	shalt  }
0x52: {  	_ =	shalt  }
0x53: {  	_ =	shalt  }
0x54: {  	_ =	shalt  }
0x55: {  	_ =	shalt  }
0x56: {  	_ =	shalt  }
0x57: {  	_ =	shalt  }
0x58: {  	_ =	shalt  }
0x59: {  	_ =	shalt  }
0x5a: {  	_ =	shalt  }
0x5b: {  	_ =	shalt  }
0x5c: {  	_ =	shalt  }
0x5d: {  	_ =	shalt  }
0x5e: {  	_ =	shalt  }
0x5f: {  	_ =	shalt  }
0x60: {  	_ =	shalt  }
0x61: {  	_ =	shalt  }
0x62: {  	_ =	shalt  }
0x63: {  	_ =	shalt  }
0x64: {  	_ =	shalt  }
0x65: {  	_ =	shalt  }
0x66: {  	_ =	shalt  }
0x67: {  	_ =	shalt  }
0x68: {  	_ =	shalt  }
0x69: {  	_ =	shalt  }
0x6a: {  	_ =	shalt  }
0x6b: {  	_ =	shalt  }
0x6c: {  	_ =	shalt  }
0x6d: {  	_ =	shalt  }
0x6e: {  	_ =	shalt  }
0x6f: {  	_ =	shalt  }
0x70: {  	_ =	shalt  }
0x71: {  	_ =	shalt  }
0x72: {  	_ =	shalt  }
0x73: {  	_ =	shalt  }
0x74: {  	_ =	shalt  }
0x75: {  	_ =	shalt  }
0x76: {  	_ =	shalt  }
0x77: {  	_ =	shalt  }
0x78: {  	_ =	shalt  }
0x79: {  	_ =	shalt  }
0x7a: {  	_ =	shalt  }
0x7b: {  	_ =	shalt  }
0x7c: {  	_ =	shalt  }
0x7d: {  	_ =	shalt  }
0x7e: {  	_ =	shalt  }
0x7f: {  	_ =	shalt  }
0x80: {  	_ =	shalt  }
0x81: {  	_ =	shalt  }
0x82: {  	_ =	shalt  }
0x83: {  	_ =	shalt  }
0x84: {  	_ =	shalt  }
0x85: {  	_ =	shalt  }
0x86: {  	_ =	shalt  }
0x87: {  	_ =	shalt  }
.Lfunc_end0:
.L_simem_size_0:
called_computation.4_lowered:
.L_overlay_start_0:
0x88: {  	s2 =	sld [smem:$0x3FD9]  }
0x89: {  	s3 =	sld [smem:$0x3FFE];
	_ =	sdelay $0x1  }
0x8a: {  	s1 =	srdreg.scid  }
0x8b: {  	s0 =	sand.u32 $0x1, s1  }
0x8c: {  	s14 =	sshll.u32 s0, $0xA;
	s2 =	sadd.s32 s3, s2  }
0x8d: {  	s2 =	sadd.s32 s2, s14  }
0x8e: {  	[smem:$0x3FAE] =	sst s2  }
0x8f: {  	_ = 	snop  }
0x90: {  	s2 =	sld [smem:$0x3FD0];
	_ =	sdelay $0x2  }
0x91: {  	s15 =	simm.s32 $0xA;
	s4 =	simm.s32 $0x10  }
0x92: {  	[smem:s4], [sflag:s15] =	dma.local [hbm:s2], $0x1  }
0x93: {  	_ =	swait.eq [sflag:s15], $0x1  }
0x94: {  	[sflag:s15] =	ssyncset.done $0x0  }
0x95: {  	[sflag:s15] =	ssyncadd.s32 $0xFFFFFFFF  }
0x96: {  	s16 =	sld [smem:$0x11];
	(tm) =	ssettm $0x1  }
0x97: {  	s17 =	sld [smem:$0x3FFB];
	_ =	sdelay $0x3  }
0x98: {  	_ =	strace s17  }
0x99: {  	s3 =	sld [smem:$0x3FFC];
	_ =	sdelay $0x3  }
0x9a: {  	_ =	strace s3  }
0x9b: {  	s3 =	sld [smem:$0x3FFD];
	_ =	sdelay $0x3  }
0x9c: {  	_ =	strace s3  }
0x9d: {  	_ =	strace $0x8FFFFFFF  }
0x9e: {  	s18 =	sld [smem:$0x3FDB];
	_ =	sdelay $0x1  }
0x9f: {  	s19 =	simm.s32 $_scs_section_size  }
0xa0: {  	s5 =	simm.s32 $_size__tile_overlayer_lowered;
	s6 =	simm.s32 $_tile_overlayer_lowered  }
0xa1: {  	s22 =	simm.s32 $0x1BFF;
	s21 =	sshll.u32 s6, $0x1;
	s3 =	sadd.s32 s19, s18  }
0xa2: {  	s7 =	simm.s32 $0x0;
	s20 =	sshll.u32 s5, $0x1;
	s5 =	sadd.s32 s21, s3  }
0xa3: {  	[timem:s7], [sflag:s22] =	dma.local [hbm:s5], s20  }
0xa4: {  	_ =	swait.ge [sflag:s22], s20  }
0xa5: {  	s4 =	ssub.s32 $0x0, s20;
	[sflag:s22] =	ssyncset.done $0x0  }
0xa6: {  	[sflag:s22] =	ssyncadd.s32 s4;
	_ =	sdelay $0x1  }
0xa7: {  	s23 =	simm.s32 $0x1B8B  }
0xa8: {  	_ =	swait.ge [sflag:s23], $0x1  }
0xa9: {  	[sflag:s23] =	ssyncset.done $0x0  }
0xaa: {  	s25 =	simm.s32 $0x1B8E;
	s24 =	sld [smem:$0x3FFE];
	[sflag:s23] =	ssyncadd.s32 $0xFFFFFFFF  }
0xab: {  	s26 =	simm.s32 $execute0_lowered;
	[smem:$0x3FD2] =	sst s25  }
0xac: {  	s5 =	sshll.u32 s26, $0x1;
	_ =	strace $0x80000049;
	[dreg:$0x1] =	wrdreg $0xFFFFFFFF  }
0xad: {  	s28 =	simm.s32 $_size_execute0_lowered;
	s3 =	sadd.s32 s3, s5;
	[dreg:$0x0] =	wrdreg $0x0  }
0xae: {  	s5 =	sshll.u32 s28, $0x1;
	[dreg:$0x2] =	wrdreg s3  }
0xaf: {  	[dreg:$0x3] =	wrdreg s5  }
0xb0: {  	[dreg:$0x4] =	wrdreg $0xC0  }
0xb1: {  	_ =	task [dreg:s7], $0x5FFFF  }
0xb2: {  	[dreg:$0x1] =	wrdreg $0xFFFFFFFF  }
0xb3: {  	[dreg:$0x0] =	wrdreg $0x60  }
0xb4: {  	[dreg:$0x2] =	wrdreg s24  }
0xb5: {  	[dreg:$0x3] =	wrdreg s16  }
0xb6: {  	[dreg:$0x4] =	wrdreg $0x9  }
0xb7: {  	_ =	task.clear_ibuf [dreg:s7], $0x5FFFF;
	_ =	strace $0x90000049  }
0xb8: {  	s29 =	simm.s32 $0x9;
	_ =	strace $0x8000004B  }
0xb9: {  	_ =	swait.ge [sflag:s29], $0x1  }
0xba: {  	[sflag:s29] =	ssyncadd.s32 $0xFFFFFFFF  }
0xbb: {  	_ =	strace $0x9000004B  }
0xbc: {  	_ =	sfence  }
0xbd: {  	s30 =	sld [smem:$0x0];
	_ =	sdelay $0x2  }
0xbe: {  	s31 =	sshll.u32 s1, $0xD;
	s1 =	sshrl.u32 s1, $0x2  }
0xbf: {  	s3 =	sand.u32 $0x4000, s31;
	s1 =	sadd.s32 s1, s30  }
0xc0: {  	s0 =	sor.u32 s3, s0;
	s1 =	sshll.u32 s1, $0x11  }
0xc1: {  	s0 =	sor.u32 s1, s0  }
0xc2: {  	s0 =	sadd.s32 $0x8F2B, s0  }
0xc3: {  	[sflag:s0] =	ssyncadd.remote.s32 $0x1  }
0xc4: {  	_ =	sfence.sel $0xFFFF  }
0xc5: {  	[dreg:$0x0] =	wrdreg $0xFFFFFFFF;
	(pc) =	sbr.abs _section_cstart, $3  }
0xc6: {  	[dreg:$0x1] =	wrdreg $0xFFFFFFFF  }
0xc7: {  	_ =	task.clear_ibuf [dreg:s7], $0x2FFFF;
	_ =	strace $0x9FFFFFFF  }
0xc8: {  	(tm) =	ssettm $0x7FFFFFFF  }
0xc9: {  	_ =	shalt  }
tec
execute0_lowered:
.L_overlay_start_1:
0x0: {  	(tag) =	ssettag $0x1  }
0x1: {  	s2 =	rddreg [dreg:$0x0]  }
0x2: {  	s3 =	rddreg [dreg:$0x1]  }
0x3: {  	s0 =	rddreg [dreg:$0x2];
	s1 =	srdreg.scid;
	_ =	strace $0x8000004A  }
0x4: {  	s4 =	simm.s32 $0x1;
	s9 =	simm.s32 $0x3;
	s5 =	sshll.u32 s1, $0x4  }
.Ltmp0:
0x5: {  	s1 =	stileid.u32;
	s5 =	sand.u32 $0x10, s5;
	(pc) =	sbr.rel .LBB2_1-.Ltmp0, $4  }
0x6: {  	s11 =	simm.s32 $0x0;
	p0 =	por $0x0, $0x0;
	s6 =	sor.u32 s1, s5  }
0x7: {  	[sflag:s4] =	ssyncpa.u1 $0x0;
	s5 =	simm.s32 $0x2;
	s6 =	sshll.u32 s6, $0x6  }
0x8: {  	s7 =	sadd.s32 $0x100600, s2;
	[sflag:s5] =	ssyncpa.u1 $0x0;
	s8 =	sadd.s32 $0x40, s6  }
0x9: {  	vm0 =	vmmov $0xff;
	vm1 =	vcmask $0x3F20;
	[sflag:s9] =	ssyncpa.u1 $0x0;
	s10 =	smov.u32 s6;
	s9 =	simm.s32 $0x0  }
.LBB2_9:
0xa: {  	p1 =	slt.u32 s9, $0x2;
	s11 =	sadd.s32 $0x20, s10  }
0xb: {  	s13 =	smov.u32 s6;
	s9 =	sadd.s32 $0x1, s9;
	p2 =	slt.s32 s11, s8  }
0xc: {  	s13 =	smov.u32 @p2 s11;
	p2 =	sne.s32 s9, $0x4  }
.Ltmp1:
0xd: {  	_ = 	snop;
	(pc) =	sbr.rel @!p2 .LBB2_10-.Ltmp1, $4  }
0xe: {  	s12 =	simm.s32 @!p1 $0x3  }
0xf: {  	_ =	swait.ge @!p1 [sflag:s12], $0x8000  }
0x10: {  	p0 =	por !p0, !p0;
	[sflag:s12] =	ssyncset.done @!p1 $0x0  }
0x11: {  	s11 =	smov.u32 s10;
	s10 =	smov.u32 s13;
	[sflag:s12] =	ssyncadd.s32 @!p1 $0xFFFF8000  }
.LBB2_1:
0x12: {  	p1 =	sgt.u32 s9, $0x1  }
0x13: {  	s12 =	sshll.u32 @!p1 s9, $0x5;
	s13 =	sshrl.u32 @!p1 s10, $0x3  }
0x14: {  	s14 =	sand.u32 @!p1 $0x7, s10;
	s12 =	sxor.u32 @!p1 $0x20, s12;
	s13 =	sadd.s32 @!p1 s7, s13  }
0x15: {  	[tilespmem:s12], [sflag:$0x2] =	stream.linear.gather @!p1 [hbm4b:s13+s14], $0x20, $0x38;
	[tilespmem:$0x10040] =	vst v63  }
0x16: {  	p1 =	seq.s32 s9, $0x0  }
0x17: {  	p2 =	seq.s32 @!p1 s9, $0x3  }
0x18: {  	p1 =	por p1, p2  }
.Ltmp2:
0x19: {  	_ = 	snop;
	(pc) =	sbr.rel @p1 .LBB2_9-.Ltmp2, $1  }
0x1a: {  	_ =	sdelay $0x3  }
0x1b: {  	s12 =	simm.s32 $0x1  }
0x1c: {  	_ =	swait.ge [sflag:s5], $0x20;
	s13 =	sand.u32 $0x1, s9;
	s12 =	simm.s32 @!p0 $0x0  }
0x1d: {  	s15 =	simm.s32 $0x0;
	p1 =	por $0x1, $0x1;
	s12 =	sshll.u32 s12, $0x11  }
0x1e: {  	[sflag:s5] =	ssyncset.done $0x0;
	s13 =	sshll.u32 s13, $0x5;
	s14 =	sshrl.u32 s12, $0x2  }
0x1f: {  	[sflag:s5] =	ssyncadd.s32 $0xFFFFFFE0;
	s12 =	sor.u32 $0x40, s14;
	s14 =	sadd.s32 $0x40, s14  }
.LBB2_3:
0x20: {  	s16 =	sshll.u32 s15, $0x4  }
0x21: {  	s16 =	sand.u32 $0x3FFFFFF0, s16  }
0x22: {  	s16 =	sadd.s32 s16, s13  }
0x23: {  	v0 =	vld.msk [tilespmem:s16+$0x0 ss:$0x1], $0xffff;
	_ =	sdelay $0x4  }
0x24: {  	vm2 =	veq.s32 v0, $0x80000000  }
0x25: {  	v1 =	vshrl.u32 v0, $0x9;
	v2 =	vshll.u32 v0, $0x15;
	v0 =	vshll.u32 v0, $0xC  }
0x26: {  	v1 =	vand.u32 $0x7, v1;
	v2 =	vand.u32 $0x200000, v2;
	v0 =	vand.u32 $0x1FE000, v0  }
0x27: {  	v1 =	vsel vm2, $0xFFFFFFFF, v1;
	v0 =	vor.u32 v0, v2  }
0x28: {  	v0 =	vsel vm2, $0xFFDFE000, v0;
	v2 =	vand.u32 $0xFFFFE000, v1;
	v1 =	vshll.u32 v1, $0x7  }
0x29: {  	v0 =	vadd.s32 v2, v0;
	v1 =	vand.u32 $0x380, v1  }
0x2a: {  	v0 =	vor.u32 v1, v0  }
0x2b: {  	v0 =	vshrl.u32 v0, $0x3  }
0x2c: {  	s31 =	sshll.u32 s15, $0x10  }
0x2d: {  	s15 =	sshra.s32 s31, $0x2  }
0x2e: {  	s15 =	sadd.s32 s15, s14  }
0x2f: {  	s17 =	sadd.s32 $0x0, s15  }
0x30: {  	[tilespmem:s17], [sflag:$0x1] =	stream.indirect_vreg.gather [hbm:s2], $0x80, v0, vm0, $0x38;
	[tilespmem:$0x10040] =	vst v63  }
0x31: {  	p2 =	por p1, p1;
	s16 =	simm.s32 $0x1000;
	v1 =	vadd.s32 $0x80, v0;
	s17 =	sadd.s32 $0x2000, s17  }
.LBB2_4:
0x32: {  	[tilespmem:s17], [sflag:$0x1] =	stream.indirect_vreg.gather [hbm:s2], $0x80, v0, vm1, $0x38;
	[tilespmem:$0x10040] =	vst v63  }
0x33: {  	v0 =	vmov v1;
	s17 =	smov.u32 s16;
	p1 =	sne.s32 s16, $0x7000  }
.Ltmp3:
0x34: {  	s16 =	sadd.s32 $0x1000, s16;
	(pc) =	sbr.rel @p1 .LBB2_4-.Ltmp3, $4  }
0x35: {  	s17 =	sshra.s32 s17, $0x2  }
0x36: {  	s17 =	sadd.s32 s17, s15  }
0x37: {  	[tilespmem:s17], [sflag:$0x1] =	stream.indirect_vreg.gather [hbm:s2], $0x80, v1, vm0, $0x38;
	[tilespmem:$0x10040] =	vst v63  }
0x38: {  	s17 =	sadd.s32 $0x2000, s17;
	v1 =	vadd.s32 $0x80, v1  }
0x39: {  	_ = 	snop  }
.Ltmp4:
0x3a: {  	_ = 	snop;
	(pc) =	sbr.rel @p2 .LBB2_3-.Ltmp4, $3  }
0x3b: {  	_ =	sdelay $0x1  }
0x3c: {  	[tilespmem:s17], [sflag:$0x1] =	stream.indirect_vreg.gather [hbm:s2], $0x80, v0, vm1, $0x38;
	[tilespmem:$0x10040] =	vst v63  }
0x3d: {  	s15 =	simm.s32 $0x1;
	p1 =	por $0x0, $0x0  }
0x3e: {  	s13 =	sshll.u32 s11, $0x7  }
0x3f: {  	s31 =	sshll.u32 s11, $0x4;
	s13 =	sand.u32 $0xFFFFFC00, s13  }
0x40: {  	_ =	swait.ge [sflag:s4], $0x8000;
	s11 =	sand.u32 $0x70, s31;
	s13 =	sadd.s32 s13, s3  }
0x41: {  	s14 =	sadd.s32 $0x2000, s12;
	[sflag:s4] =	ssyncset.done $0x0;
	s11 =	sadd.s32 s11, s13  }
0x42: {  	[sflag:s4] =	ssyncadd.s32 $0xFFFF8000;
	s13 =	simm.s32 $0x400;
	s15 =	sadd.s32 $0x0, s11  }
.LBB2_7:
0x43: {  	[hbm:s15] =	stream.linear.scatter [tilespmem:s12], [sflag:$0x3], $0x2000, $0x38;
	[tilespmem:$0x10040] =	vst v63  }
0x44: {  	s15 =	smov.u32 s13;
	s12 =	smov.u32 s14;
	p1 =	sne.s32 s13, $0xC00  }
.Ltmp5:
0x45: {  	s13 =	sadd.s32 $0x400, s13;
	(pc) =	sbr.rel @p1 .LBB2_7-.Ltmp5, $2  }
0x46: {  	_ =	sdelay $0x2  }
0x47: {  	s14 =	sadd.s32 $0x2000, s14;
	s15 =	sadd.s32 s15, s11  }
.Ltmp6:
0x48: {  	(pc) =	sbr.rel .LBB2_9-.Ltmp6, $2  }
0x49: {  	_ =	sdelay $0x2  }
0x4a: {  	[hbm:s15] =	stream.linear.scatter [tilespmem:s12], [sflag:$0x3], $0x2000, $0x38;
	[tilespmem:$0x10040] =	vst v63  }
.LBB2_10:
0x4b: {  	_ =	sfence.sel $0x180000  }
0x4c: {  	s2 =	simm.s32 $0x2;
	[bflag:$0x0] =	sbarrier.arrive $0xFFFF  }
0x4d: {  	s30 =	simm.s32 $0x3;
	[sflag:s2] =	ssyncpa.u1 $0x1  }
0x4e: {  	s31 =	simm.s32 $0x1;
	[sflag:s30] =	ssyncpa.u1 $0x1  }
0x4f: {  	[sflag:s31] =	ssyncpa.u1 $0x1  }
0x50: {  	p0 =	sne.s32 s1, $0x0;
	_ =	strace $0x9000004A  }
0x51: {  	s0 =	sadd.s32 @!p0 $0x100000, s0;
	[bflag:$0x2] =	sbarrier.arrive $0xFFFF  }
0x52: {  	[sflag:s0] =	ssyncadd.tile.s32 @!p0 $0x1;
	_ =	shalt  }
.Lfunc_end2:
_tile_overlayer_lowered:
.L_overlay_start_2:
0x53: {  	(tag) =	ssettag $0x2  }
0x54: {  	s0 =	rddreg [dreg:$0x0];
	s2 =	stileid.u32  }
0x55: {  	s1 =	rddreg [dreg:$0x1];
	p0 =	sne.s32 s2, $0x0  }
0x56: {  	s3 =	rddreg [dreg:$0x2];
	[bflag:$0x3] =	sbarrier.arrive $0xFFFF;
	s2 =	simm.s32 @!p0 $0x1C01  }
0x57: {  	[timem:s3], [sflag:s2] =	dma.local @!p0 [hbm:s0], s1  }
0x58: {  	s0 =	simm.s32 @!p0 $0x1  }
0x59: {  	_ =	swait.ge @!p0 [sflag:s0], s1  }
0x5a: {  	s1 =	ssub.s32 @!p0 $0x0, s1;
	[sflag:s0] =	ssyncset.done @!p0 $0x0  }
0x5b: {  	[sflag:s0] =	ssyncadd.s32 @!p0 s1  }
0x5c: {  	[bflag:$0x3] =	sbarrier.arrive $0xFFFF  }
0x5d: {  	_ =	shalt  }

// kernel: gather_offload_async_start.4
scs
__scs_entry_jumppad:
0x0: {  	(pc) =	sbr.rel $0x88, $3  }
0x1: {  	(tag) =	ssettag $0x0;
	lr =	simm.s32 $0x1  }
0x2: {  	[smem:$0x3F87] =	sst lr;
	_ =	strace $0xD0000000  }
0x3: {  	_ = 	snop  }
0x4: {  	_ = 	snop  }
0x5: {  	_ = 	snop  }
0x6: {  	_ = 	snop  }
0x7: {  	_ = 	snop  }
__scs_overlays_trampoline_lowered:
0x8: {  	[smem:$0x3F96] =	sst s0  }
0x9: {  	[smem:$0x3F97] =	sst s1  }
0xa: {  	[smem:$0x3F98] =	sst s2  }
0xb: {  	[smem:$0x3F99] =	sst s3  }
0xc: {  	[smem:$0x3F9A] =	sst s4  }
0xd: {  	[smem:$0x3F9B] =	sst s5  }
0xe: {  	[smem:$0x3F9C] =	sst s6  }
0xf: {  	[smem:$0x3F9D] =	sst s7  }
0x10: {  	[smem:$0x3F9E] =	sst s8  }
0x11: {  	[smem:$0x3F9F] =	sst s9;
	s0 =	simm.s32 @!p0 $0x0  }
0x12: {  	s1 =	sld [smem:$0x3F85];
	s0 =	simm.s32 @p0 $0x1  }
0x13: {  	[smem:$0x3FA0] =	sst s0;
	s0 =	simm.s32 @!p1 $0x0  }
0x14: {  	s2 =	sld [smem:$0x3F84];
	s0 =	simm.s32 @p1 $0x1  }
0x15: {  	[smem:$0x3FA1] =	sst s0;
	s0 =	simm.s32 @!p2 $0x0  }
0x16: {  	s3 =	sld [smem:$0x3FDB];
	s0 =	simm.s32 @p2 $0x1  }
0x17: {  	s4 =	simm.s32 $0x1BF5;
	[smem:$0x3FA3] =	sst s0  }
0x18: {  	s0 =	sld [smem:$0x3F86];
	_ =	swait.ge [sflag:s4], $0x0  }
0x19: {  	s7 =	sld [smem:$0x3F87]  }
0x1a: {  	s8 =	sadd.s32 $0xFFFFE003, lr  }
0x1b: {  	s9 =	sadd.s32 $0xFFFFFEF7, lr;
	s5 =	simm.s32 $0xFFFFFFFF;
	p2 =	slt.u32 s8, $0xFFFFF086  }
0x1c: {  	p1 =	slt.u32 s9, $0xF7A;
	s5 =	simm.s32 @!p2 $0x0  }
0x1d: {  	s5 =	simm.s32 @p1 $0x1;
	p0 =	seq.s32 s7, s2  }
0x1e: {  	s7 =	smul.u32 @!p0 $0xF7A, s2;
	p2 =	seq.s32 @!p0 s5, $0x0  }
0x1f: {  	s9 =	smul.u32 $0xF7A, s1;
	s8 =	simm.s32 @!p0 $0x1BF5;
	p2 =	por !p2, p0  }
0x20: {  	[sflag:s8] =	ssyncset.s32 @!p0 $0xFFFFF086;
	s6 =	sadd.s32 @!p0 s3, s7;
	s7 =	simm.s32 @!p0 $0x108  }
0x21: {  	s3 =	sadd.s32 s3, s9;
	s6 =	sadd.s32 @!p0 $0x88, s6;
	s7 =	simm.s32 @p2 $0x1082  }
0x22: {  	[simem:s7], [sflag:s8] =	dma.local @!p0 [hbm:s6], $0xF7A  }
0x23: {  	s9 =	sor.u32 $0xD0000000, s2;
	s6 =	simm.s32 $0x108;
	_ =	swait.ge @!p0 [sflag:s8], $0x0  }
0x24: {  	s3 =	sadd.s32 $0x88, s3;
	s6 =	simm.s32 @!p1 $0x1082;
	[sflag:s4] =	ssyncset.s32 $0xFFFFF086  }
0x25: {  	[simem:s6], [sflag:s4] =	dma.local [hbm:s3], $0xF7A  }
0x26: {  	[smem:$0x3F87] =	sst s1;
	(tag) =	ssettag s2;
	_ =	strace s9  }
0x27: {  	s1 =	sld [smem:$0x3F97]  }
0x28: {  	s2 =	sld [smem:$0x3F98]  }
0x29: {  	s4 =	sld [smem:$0x3F9A]  }
0x2a: {  	p0 =	seq.s32 s5, $0x0;
	s5 =	sld [smem:$0x3F9B]  }
0x2b: {  	s6 =	sld [smem:$0x3F9C]  }
0x2c: {  	s7 =	sld [smem:$0x3F9D]  }
0x2d: {  	s3 =	simm.s32 $0x108;
	s8 =	sld [smem:$0x3F9E]  }
0x2e: {  	s3 =	simm.s32 @!p0 $0x1082;
	s9 =	sld [smem:$0x3F9F]  }
0x2f: {  	lr =	sadd.s32 s0, s3;
	s0 =	sld [smem:$0x3F96]  }
0x30: {  	s3 =	sld [smem:$0x3F99]  }
0x31: {  	[smem:$0x3FA2] =	sst s10  }
0x32: {  	s10 =	sld [smem:$0x3FA0];
	_ =	sdelay $0x3  }
0x33: {  	p0 =	seq.s32 s10, $0x1;
	s10 =	sld [smem:$0x3FA2];
	_ =	sdelay $0x3  }
0x34: {  	[smem:$0x3FA2] =	sst s10  }
0x35: {  	s10 =	sld [smem:$0x3FA1];
	_ =	sdelay $0x3  }
0x36: {  	p1 =	seq.s32 s10, $0x1;
	s10 =	sld [smem:$0x3FA2];
	_ =	sdelay $0x3  }
0x37: {  	[smem:$0x3FA2] =	sst s10  }
0x38: {  	s10 =	sld [smem:$0x3FA3]  }
0x39: {  	_ = 	snop;
	(pc) =	sbr.ind lr, $3  }
0x3a: {  	_ = 	snop  }
0x3b: {  	_ = 	snop  }
0x3c: {  	p2 =	seq.s32 s10, $0x1;
	s10 =	sld [smem:$0x3FA2]  }
0x3d: {  	_ =	shalt  }
0x3e: {  	_ =	shalt  }
0x3f: {  	_ =	shalt  }
0x40: {  	_ =	shalt  }
0x41: {  	_ =	shalt  }
0x42: {  	_ =	shalt  }
0x43: {  	_ =	shalt  }
0x44: {  	_ =	shalt  }
0x45: {  	_ =	shalt  }
0x46: {  	_ =	shalt  }
0x47: {  	_ =	shalt  }
0x48: {  	_ =	shalt  }
0x49: {  	_ =	shalt  }
0x4a: {  	_ =	shalt  }
0x4b: {  	_ =	shalt  }
0x4c: {  	_ =	shalt  }
0x4d: {  	_ =	shalt  }
0x4e: {  	_ =	shalt  }
0x4f: {  	_ =	shalt  }
0x50: {  	_ =	shalt  }
0x51: {  	_ =	shalt  }
0x52: {  	_ =	shalt  }
0x53: {  	_ =	shalt  }
0x54: {  	_ =	shalt  }
0x55: {  	_ =	shalt  }
0x56: {  	_ =	shalt  }
0x57: {  	_ =	shalt  }
0x58: {  	_ =	shalt  }
0x59: {  	_ =	shalt  }
0x5a: {  	_ =	shalt  }
0x5b: {  	_ =	shalt  }
0x5c: {  	_ =	shalt  }
0x5d: {  	_ =	shalt  }
0x5e: {  	_ =	shalt  }
0x5f: {  	_ =	shalt  }
0x60: {  	_ =	shalt  }
0x61: {  	_ =	shalt  }
0x62: {  	_ =	shalt  }
0x63: {  	_ =	shalt  }
0x64: {  	_ =	shalt  }
0x65: {  	_ =	shalt  }
0x66: {  	_ =	shalt  }
0x67: {  	_ =	shalt  }
0x68: {  	_ =	shalt  }
0x69: {  	_ =	shalt  }
0x6a: {  	_ =	shalt  }
0x6b: {  	_ =	shalt  }
0x6c: {  	_ =	shalt  }
0x6d: {  	_ =	shalt  }
0x6e: {  	_ =	shalt  }
0x6f: {  	_ =	shalt  }
0x70: {  	_ =	shalt  }
0x71: {  	_ =	shalt  }
0x72: {  	_ =	shalt  }
0x73: {  	_ =	shalt  }
0x74: {  	_ =	shalt  }
0x75: {  	_ =	shalt  }
0x76: {  	_ =	shalt  }
0x77: {  	_ =	shalt  }
0x78: {  	_ =	shalt  }
0x79: {  	_ =	shalt  }
0x7a: {  	_ =	shalt  }
0x7b: {  	_ =	shalt  }
0x7c: {  	_ =	shalt  }
0x7d: {  	_ =	shalt  }
0x7e: {  	_ =	shalt  }
0x7f: {  	_ =	shalt  }
0x80: {  	_ =	shalt  }
0x81: {  	_ =	shalt  }
0x82: {  	_ =	shalt  }
0x83: {  	_ =	shalt  }
0x84: {  	_ =	shalt  }
0x85: {  	_ =	shalt  }
0x86: {  	_ =	shalt  }
0x87: {  	_ =	shalt  }
.Lfunc_end0:
.L_simem_size_0:
called_computation.5_lowered:
.L_overlay_start_0:
0x88: {  	s2 =	sld [smem:$0x3FD9]  }
0x89: {  	s3 =	sld [smem:$0x3FFE];
	_ =	sdelay $0x1  }
0x8a: {  	s1 =	srdreg.scid  }
0x8b: {  	s0 =	sand.u32 $0x1, s1  }
0x8c: {  	s14 =	sshll.u32 s0, $0xA;
	s2 =	sadd.s32 s3, s2  }
0x8d: {  	s2 =	sadd.s32 s2, s14  }
0x8e: {  	[smem:$0x3FAE] =	sst s2  }
0x8f: {  	_ = 	snop  }
0x90: {  	s2 =	sld [smem:$0x3FD0];
	_ =	sdelay $0x2  }
0x91: {  	s15 =	simm.s32 $0xA;
	s4 =	simm.s32 $0x10  }
0x92: {  	[smem:s4], [sflag:s15] =	dma.local [hbm:s2], $0x1  }
0x93: {  	_ =	swait.eq [sflag:s15], $0x1  }
0x94: {  	[sflag:s15] =	ssyncset.done $0x0  }
0x95: {  	s16 =	sld [smem:$0x10];
	[sflag:s15] =	ssyncadd.s32 $0xFFFFFFFF  }
0x96: {  	s17 =	sld [smem:$0x11];
	(tm) =	ssettm $0x1  }
0x97: {  	s18 =	sld [smem:$0x3FFB];
	_ =	sdelay $0x3  }
0x98: {  	_ =	strace s18  }
0x99: {  	s4 =	sld [smem:$0x3FFC];
	_ =	sdelay $0x3  }
0x9a: {  	_ =	strace s4  }
0x9b: {  	s4 =	sld [smem:$0x3FFD];
	_ =	sdelay $0x3  }
0x9c: {  	_ =	strace s4  }
0x9d: {  	_ =	strace $0x8FFFFFFF  }
0x9e: {  	s19 =	sld [smem:$0x3FDB];
	_ =	sdelay $0x1  }
0x9f: {  	s5 =	simm.s32 $_scs_section_size  }
0xa0: {  	s6 =	simm.s32 $_size__tile_overlayer_lowered;
	s7 =	simm.s32 $_tile_overlayer_lowered  }
0xa1: {  	s22 =	simm.s32 $0x1BFF;
	s21 =	sshll.u32 s7, $0x1;
	s4 =	sadd.s32 s5, s19  }
0xa2: {  	s8 =	simm.s32 $0x0;
	s20 =	sshll.u32 s6, $0x1;
	s6 =	sadd.s32 s21, s4  }
0xa3: {  	[timem:s8], [sflag:s22] =	dma.local [hbm:s6], s20  }
0xa4: {  	_ =	swait.ge [sflag:s22], s20  }
0xa5: {  	s5 =	ssub.s32 $0x0, s20;
	[sflag:s22] =	ssyncset.done $0x0  }
0xa6: {  	[sflag:s22] =	ssyncadd.s32 s5;
	_ =	sdelay $0x1  }
0xa7: {  	s23 =	simm.s32 $0x1B8B  }
0xa8: {  	_ =	swait.ge [sflag:s23], $0x1  }
0xa9: {  	[sflag:s23] =	ssyncset.done $0x0  }
0xaa: {  	s25 =	simm.s32 $0x1B8E;
	s24 =	sld [smem:$0x3FFE];
	[sflag:s23] =	ssyncadd.s32 $0xFFFFFFFF  }
0xab: {  	s26 =	simm.s32 $execute0_lowered;
	[smem:$0x3FD2] =	sst s25  }
0xac: {  	s6 =	sshll.u32 s26, $0x1;
	_ =	strace $0x8000004F;
	[dreg:$0x1] =	wrdreg $0xFFFFFFFF  }
0xad: {  	s28 =	simm.s32 $_size_execute0_lowered;
	s4 =	sadd.s32 s4, s6;
	[dreg:$0x0] =	wrdreg $0x0  }
0xae: {  	s6 =	sshll.u32 s28, $0x1;
	[dreg:$0x2] =	wrdreg s4  }
0xaf: {  	[dreg:$0x3] =	wrdreg s6  }
0xb0: {  	[dreg:$0x4] =	wrdreg $0xC0  }
0xb1: {  	_ =	task [dreg:s8], $0x5FFFF  }
0xb2: {  	[dreg:$0x1] =	wrdreg $0xFFFFFFFF  }
0xb3: {  	[dreg:$0x0] =	wrdreg $0x60  }
0xb4: {  	[dreg:$0x2] =	wrdreg s17  }
0xb5: {  	[dreg:$0x3] =	wrdreg s24  }
0xb6: {  	[dreg:$0x4] =	wrdreg s16  }
0xb7: {  	[dreg:$0x5] =	wrdreg $0x9  }
0xb8: {  	_ =	task.clear_ibuf [dreg:s8], $0x6FFFF;
	_ =	strace $0x9000004F  }
0xb9: {  	s29 =	simm.s32 $0x9;
	_ =	strace $0x80000051  }
0xba: {  	_ =	swait.ge [sflag:s29], $0x1  }
0xbb: {  	[sflag:s29] =	ssyncadd.s32 $0xFFFFFFFF  }
0xbc: {  	_ =	strace $0x90000051  }
0xbd: {  	_ =	sfence  }
0xbe: {  	s30 =	sld [smem:$0x0];
	_ =	sdelay $0x2  }
0xbf: {  	s31 =	sshll.u32 s1, $0xD;
	s1 =	sshrl.u32 s1, $0x2  }
0xc0: {  	s3 =	sand.u32 $0x4000, s31;
	s1 =	sadd.s32 s1, s30  }
0xc1: {  	s0 =	sor.u32 s3, s0;
	s1 =	sshll.u32 s1, $0x11  }
0xc2: {  	s0 =	sor.u32 s1, s0  }
0xc3: {  	s0 =	sadd.s32 $0x8F2B, s0  }
0xc4: {  	[sflag:s0] =	ssyncadd.remote.s32 $0x1  }
0xc5: {  	_ =	sfence.sel $0xFFFF  }
0xc6: {  	[dreg:$0x0] =	wrdreg $0xFFFFFFFF;
	(pc) =	sbr.abs _section_cstart, $3  }
0xc7: {  	[dreg:$0x1] =	wrdreg $0xFFFFFFFF  }
0xc8: {  	_ =	task.clear_ibuf [dreg:s8], $0x2FFFF;
	_ =	strace $0x9FFFFFFF  }
0xc9: {  	(tm) =	ssettm $0x7FFFFFFF  }
tec
execute0_lowered:
.L_overlay_start_1:
0x0: {  	(tag) =	ssettag $0x1  }
0x1: {  	s2 =	rddreg [dreg:$0x0]  }
0x2: {  	s7 =	rddreg [dreg:$0x1];
	s0 =	srdreg.scid  }
0x3: {  	s3 =	rddreg [dreg:$0x2];
	s1 =	stileid.u32;
	s6 =	simm.s32 $0x2  }
0x4: {  	s4 =	sshll.u32 s0, $0x4;
	s0 =	rddreg [dreg:$0x3];
	_ =	strace $0x80000050  }
.Ltmp0:
0x5: {  	s5 =	sand.u32 $0x10, s4;
	s4 =	simm.s32 $0x1;
	(pc) =	sbr.rel .LBB2_1-.Ltmp0, $4  }
0x6: {  	s9 =	simm.s32 $0x3;
	s5 =	sor.u32 s1, s5;
	[sflag:s4] =	ssyncpa.u1 $0x0  }
0x7: {  	s12 =	simm.s32 $0x0;
	s5 =	smul.u32 $0x30, s5;
	[sflag:s6] =	ssyncpa.u1 $0x0  }
0x8: {  	s11 =	simm.s32 $0x0;
	s7 =	sadd.s32 $0x101600, s7;
	[sflag:s9] =	ssyncpa.u1 $0x0  }
0x9: {  	v0 =	vimm.s32 $0x0;
	vm0 =	vmmov $0xff;
	vm1 =	vcmask $0x3F20;
	s9 =	simm.s32 $0x30;
	s8 =	sadd.s32 $0x30, s5;
	s10 =	smov.u32 s5  }
.LBB2_11:
0xa: {  	s12 =	sshrl.u32 s10, $0x3  }
0xb: {  	s13 =	sand.u32 $0x7, s10;
	s12 =	sadd.s32 s7, s12  }
0xc: {  	[tilespmem:s9], [sflag:$0x2] =	stream.linear.gather [hbm4b:s12+s13], $0x30, $0x38;
	[tilespmem:$0x18060] =	vst v63  }
.LBB2_12:
0xd: {  	s12 =	sadd.s32 $0x30, s10  }
0xe: {  	s13 =	smov.u32 s5;
	s11 =	sadd.s32 $0x1, s11;
	p0 =	slt.s32 s12, s8  }
0xf: {  	s13 =	smov.u32 @p0 s12;
	p0 =	sne.s32 s11, $0x3  }
.Ltmp1:
0x10: {  	_ = 	snop;
	(pc) =	sbr.rel @!p0 .LBB2_13-.Ltmp1, $2  }
0x11: {  	_ =	sdelay $0x2  }
0x12: {  	s12 =	smov.u32 s10;
	s10 =	smov.u32 s13  }
.LBB2_1:
0x13: {  	p0 =	seq.s32 s11, $0x0  }
.Ltmp2:
0x14: {  	_ = 	snop;
	(pc) =	sbr.rel @p0 .LBB2_11-.Ltmp2, $1  }
0x15: {  	_ =	sdelay $0x3  }
0x16: {  	p0 =	seq.s32 s11, $0x1  }
.Ltmp3:
0x17: {  	_ = 	snop;
	(pc) =	sbr.rel @!p0 .LBB2_10-.Ltmp3, $1  }
0x18: {  	_ =	sdelay $0x3  }
0x19: {  	_ =	swait.ge [sflag:s6], $0x30  }
0x1a: {  	[sflag:s6] =	ssyncset.done $0x0  }
0x1b: {  	s13 =	simm.s32 $0x0;
	s14 =	simm.s32 $0x60;
	[sflag:s6] =	ssyncadd.s32 $0xFFFFFFD0  }
.LBB2_4:
0x1c: {  	s15 =	sshll.u32 s13, $0x4  }
0x1d: {  	s15 =	sand.u32 $0x3FFFFFF0, s15  }
0x1e: {  	v1 =	vld.msk [tilespmem:s15+$0x30 ss:$0x1], $0xffff;
	_ =	sdelay $0x4  }
0x1f: {  	vm2 =	veq.s32 v1, $0x80000000;
	v2 =	vand.u32 $0x1, v1  }
0x20: {  	v3 =	vshrl.u32 v1, $0x9;
	v1 =	vshll.u32 v1, $0xC;
	vm3 =	veq.s32 v2, $0x1  }
0x21: {  	v2 =	vand.u32 $0x7, v3;
	v1 =	vand.u32 $0x1FE000, v1;
	v3 =	vsel vm3, $0x180000, v0  }
0x22: {  	v2 =	vsel vm2, $0xFFFFFFFF, v2;
	v1 =	vadd.s32 v1, v3  }
0x23: {  	v3 =	vand.u32 $0xFFFFE000, v2;
	v2 =	vshll.u32 v2, $0x7;
	v1 =	vsel vm2, $0xFFE7E000, v1  }
0x24: {  	v2 =	vand.u32 $0x380, v2;
	v1 =	vadd.s32 v3, v1  }
0x25: {  	v1 =	vor.u32 v2, v1  }
0x26: {  	v1 =	vshrl.u32 v1, $0x3;
	_ =	sdelay $0x2  }
0x27: {  	s16 =	sadd.s32 $0xFFFFE000, s14  }
0x28: {  	s31 =	sadd.s32 $0xE000, s16;
	s16 =	sadd.s32 $0x10000, s16;
	s15 =	simm.s32 $0xFFFF9000  }
0x29: {  	v2 =	vadd.s32 $0x80, v1;
	[tilespmem:s31], [sflag:$0x1] =	stream.indirect_vreg.gather [hbm:s2], $0x80, v1, vm0, $0x38;
	[tilespmem:$0x18060] =	vst v63  }
.LBB2_5:
0x2a: {  	[tilespmem:s16], [sflag:$0x1] =	stream.indirect_vreg.gather [hbm:s2], $0x80, v1, vm1, $0x38;
	[tilespmem:$0x18060] =	vst v63  }
0x2b: {  	v1 =	vmov v2;
	p0 =	sne.s32 s15, $0xFFFFF000  }
.Ltmp4:
0x2c: {  	s16 =	sshra.s32 s15, $0x2;
	(pc) =	sbr.rel @p0 .LBB2_5-.Ltmp4, $4  }
0x2d: {  	s15 =	sadd.s32 $0x1000, s15;
	s16 =	sadd.s32 s16, s14  }
0x2e: {  	s17 =	sadd.s32 $0xE000, s16  }
0x2f: {  	[tilespmem:s17], [sflag:$0x1] =	stream.indirect_vreg.gather [hbm:s2], $0x80, v2, vm0, $0x38;
	[tilespmem:$0x18060] =	vst v63  }
0x30: {  	s16 =	sadd.s32 $0x10000, s16;
	v2 =	vadd.s32 $0x80, v2  }
0x31: {  	s13 =	sadd.s32 $0x1, s13  }
0x32: {  	p0 =	sne.s32 s13, $0x3  }
.Ltmp5:
0x33: {  	_ = 	snop;
	(pc) =	sbr.rel @p0 .LBB2_4-.Ltmp5, $3  }
0x34: {  	_ =	sdelay $0x1  }
0x35: {  	[tilespmem:s16], [sflag:$0x1] =	stream.indirect_vreg.gather [hbm:s2], $0x80, v1, vm1, $0x38;
	[tilespmem:$0x18060] =	vst v63  }
0x36: {  	s14 =	sadd.s32 $0x4000, s14  }
0x37: {  	s13 =	sshll.u32 s12, $0x7  }
0x38: {  	_ =	swait.ge [sflag:s4], $0xC000;
	s31 =	sshll.u32 s12, $0x4;
	s13 =	sand.u32 $0xFFFFFC00, s13  }
0x39: {  	s14 =	simm.s32 $0x400;
	s12 =	sand.u32 $0x70, s31;
	s13 =	sadd.s32 s13, s3  }
0x3a: {  	s15 =	simm.s32 $0xE060;
	[sflag:s4] =	ssyncset.done $0x0;
	s12 =	sadd.s32 s12, s13  }
0x3b: {  	[sflag:s4] =	ssyncadd.s32 $0xFFFF4000;
	s13 =	simm.s32 $0xC060;
	s16 =	sadd.s32 $0x0, s12  }
.LBB2_8:
0x3c: {  	[hbm:s16] =	stream.linear.scatter [tilespmem:s13], [sflag:$0x3], $0x2000, $0x38;
	[tilespmem:$0x18060] =	vst v63  }
0x3d: {  	s16 =	smov.u32 s14;
	s13 =	smov.u32 s15;
	p0 =	seq.s32 s14, $0x1400  }
.Ltmp6:
0x3e: {  	s14 =	sadd.s32 $0x400, s14;
	(pc) =	sbr.rel @!p0 .LBB2_8-.Ltmp6, $2  }
0x3f: {  	_ =	sdelay $0x2  }
0x40: {  	s15 =	sadd.s32 $0x2000, s15;
	s16 =	sadd.s32 s16, s12  }
.Ltmp7:
0x41: {  	(pc) =	sbr.rel .LBB2_12-.Ltmp7, $2  }
0x42: {  	_ =	sdelay $0x2  }
0x43: {  	[hbm:s16] =	stream.linear.scatter [tilespmem:s13], [sflag:$0x3], $0x2000, $0x38;
	[tilespmem:$0x18060] =	vst v63  }
.LBB2_10:
0x44: {  	s2 =	simm.s32 $0x3  }
0x45: {  	_ =	swait.ge [sflag:s2], $0xC000  }
0x46: {  	[sflag:s2] =	ssyncset.done $0x0  }
0x47: {  	[sflag:s2] =	ssyncadd.s32 $0xFFFF4000  }
.LBB2_13:
0x48: {  	_ =	sfence.sel $0x180000  }
0x49: {  	s2 =	simm.s32 $0x2;
	[bflag:$0x0] =	sbarrier.arrive $0xFFFF  }
0x4a: {  	s30 =	simm.s32 $0x3;
	[sflag:s2] =	ssyncpa.u1 $0x1  }
0x4b: {  	s31 =	simm.s32 $0x1;
	[sflag:s30] =	ssyncpa.u1 $0x1  }
0x4c: {  	[sflag:s31] =	ssyncpa.u1 $0x1  }
0x4d: {  	p0 =	sne.s32 s1, $0x0;
	_ =	strace $0x90000050  }
0x4e: {  	s0 =	sadd.s32 @!p0 $0x100000, s0;
	[bflag:$0x2] =	sbarrier.arrive $0xFFFF  }
0x4f: {  	[sflag:s0] =	ssyncadd.tile.s32 @!p0 $0x1;
	_ =	shalt  }
.Lfunc_end2:
_tile_overlayer_lowered:
.L_overlay_start_2:
0x50: {  	(tag) =	ssettag $0x2  }
0x51: {  	s0 =	rddreg [dreg:$0x0];
	s2 =	stileid.u32  }
0x52: {  	s1 =	rddreg [dreg:$0x1];
	p0 =	sne.s32 s2, $0x0  }
0x53: {  	s3 =	rddreg [dreg:$0x2];
	[bflag:$0x3] =	sbarrier.arrive $0xFFFF;
	s2 =	simm.s32 @!p0 $0x1C01  }
0x54: {  	[timem:s3], [sflag:s2] =	dma.local @!p0 [hbm:s0], s1  }
0x55: {  	s0 =	simm.s32 @!p0 $0x1  }
0x56: {  	_ =	swait.ge @!p0 [sflag:s0], s1  }
0x57: {  	s1 =	ssub.s32 @!p0 $0x0, s1;
	[sflag:s0] =	ssyncset.done @!p0 $0x0  }
0x58: {  	[sflag:s0] =	ssyncadd.s32 @!p0 s1  }
0x59: {  	[bflag:$0x3] =	sbarrier.arrive $0xFFFF  }
0x5a: {  	_ =	shalt  }

// kernel: gather_offload_async_start.5
scs
__scs_entry_jumppad:
0x0: {  	(pc) =	sbr.rel $0x88, $3  }
0x1: {  	(tag) =	ssettag $0x0;
	lr =	simm.s32 $0x1  }
0x2: {  	[smem:$0x3F87] =	sst lr;
	_ =	strace $0xD0000000  }
0x3: {  	_ = 	snop  }
0x4: {  	_ = 	snop  }
0x5: {  	_ = 	snop  }
0x6: {  	_ = 	snop  }
0x7: {  	_ = 	snop  }
__scs_overlays_trampoline_lowered:
0x8: {  	[smem:$0x3F96] =	sst s0  }
0x9: {  	[smem:$0x3F97] =	sst s1  }
0xa: {  	[smem:$0x3F98] =	sst s2  }
0xb: {  	[smem:$0x3F99] =	sst s3  }
0xc: {  	[smem:$0x3F9A] =	sst s4  }
0xd: {  	[smem:$0x3F9B] =	sst s5  }
0xe: {  	[smem:$0x3F9C] =	sst s6  }
0xf: {  	[smem:$0x3F9D] =	sst s7  }
0x10: {  	[smem:$0x3F9E] =	sst s8  }
0x11: {  	[smem:$0x3F9F] =	sst s9;
	s0 =	simm.s32 @!p0 $0x0  }
0x12: {  	s1 =	sld [smem:$0x3F85];
	s0 =	simm.s32 @p0 $0x1  }
0x13: {  	[smem:$0x3FA0] =	sst s0;
	s0 =	simm.s32 @!p1 $0x0  }
0x14: {  	s2 =	sld [smem:$0x3F84];
	s0 =	simm.s32 @p1 $0x1  }
0x15: {  	[smem:$0x3FA1] =	sst s0;
	s0 =	simm.s32 @!p2 $0x0  }
0x16: {  	s3 =	sld [smem:$0x3FDB];
	s0 =	simm.s32 @p2 $0x1  }
0x17: {  	s4 =	simm.s32 $0x1BF5;
	[smem:$0x3FA3] =	sst s0  }
0x18: {  	s0 =	sld [smem:$0x3F86];
	_ =	swait.ge [sflag:s4], $0x0  }
0x19: {  	s7 =	sld [smem:$0x3F87]  }
0x1a: {  	s8 =	sadd.s32 $0xFFFFE003, lr  }
0x1b: {  	s9 =	sadd.s32 $0xFFFFFEF7, lr;
	s5 =	simm.s32 $0xFFFFFFFF;
	p2 =	slt.u32 s8, $0xFFFFF086  }
0x1c: {  	p1 =	slt.u32 s9, $0xF7A;
	s5 =	simm.s32 @!p2 $0x0  }
0x1d: {  	s5 =	simm.s32 @p1 $0x1;
	p0 =	seq.s32 s7, s2  }
0x1e: {  	s7 =	smul.u32 @!p0 $0xF7A, s2;
	p2 =	seq.s32 @!p0 s5, $0x0  }
0x1f: {  	s9 =	smul.u32 $0xF7A, s1;
	s8 =	simm.s32 @!p0 $0x1BF5;
	p2 =	por !p2, p0  }
0x20: {  	[sflag:s8] =	ssyncset.s32 @!p0 $0xFFFFF086;
	s6 =	sadd.s32 @!p0 s3, s7;
	s7 =	simm.s32 @!p0 $0x108  }
0x21: {  	s3 =	sadd.s32 s3, s9;
	s6 =	sadd.s32 @!p0 $0x88, s6;
	s7 =	simm.s32 @p2 $0x1082  }
0x22: {  	[simem:s7], [sflag:s8] =	dma.local @!p0 [hbm:s6], $0xF7A  }
0x23: {  	s9 =	sor.u32 $0xD0000000, s2;
	s6 =	simm.s32 $0x108;
	_ =	swait.ge @!p0 [sflag:s8], $0x0  }
0x24: {  	s3 =	sadd.s32 $0x88, s3;
	s6 =	simm.s32 @!p1 $0x1082;
	[sflag:s4] =	ssyncset.s32 $0xFFFFF086  }
0x25: {  	[simem:s6], [sflag:s4] =	dma.local [hbm:s3], $0xF7A  }
0x26: {  	[smem:$0x3F87] =	sst s1;
	(tag) =	ssettag s2;
	_ =	strace s9  }
0x27: {  	s1 =	sld [smem:$0x3F97]  }
0x28: {  	s2 =	sld [smem:$0x3F98]  }
0x29: {  	s4 =	sld [smem:$0x3F9A]  }
0x2a: {  	p0 =	seq.s32 s5, $0x0;
	s5 =	sld [smem:$0x3F9B]  }
0x2b: {  	s6 =	sld [smem:$0x3F9C]  }
0x2c: {  	s7 =	sld [smem:$0x3F9D]  }
0x2d: {  	s3 =	simm.s32 $0x108;
	s8 =	sld [smem:$0x3F9E]  }
0x2e: {  	s3 =	simm.s32 @!p0 $0x1082;
	s9 =	sld [smem:$0x3F9F]  }
0x2f: {  	lr =	sadd.s32 s0, s3;
	s0 =	sld [smem:$0x3F96]  }
0x30: {  	s3 =	sld [smem:$0x3F99]  }
0x31: {  	[smem:$0x3FA2] =	sst s10  }
0x32: {  	s10 =	sld [smem:$0x3FA0];
	_ =	sdelay $0x3  }
0x33: {  	p0 =	seq.s32 s10, $0x1;
	s10 =	sld [smem:$0x3FA2];
	_ =	sdelay $0x3  }
0x34: {  	[smem:$0x3FA2] =	sst s10  }
0x35: {  	s10 =	sld [smem:$0x3FA1];
	_ =	sdelay $0x3  }
0x36: {  	p1 =	seq.s32 s10, $0x1;
	s10 =	sld [smem:$0x3FA2];
	_ =	sdelay $0x3  }
0x37: {  	[smem:$0x3FA2] =	sst s10  }
0x38: {  	s10 =	sld [smem:$0x3FA3]  }
0x39: {  	_ = 	snop;
	(pc) =	sbr.ind lr, $3  }
0x3a: {  	_ = 	snop  }
0x3b: {  	_ = 	snop  }
0x3c: {  	p2 =	seq.s32 s10, $0x1;
	s10 =	sld [smem:$0x3FA2]  }
0x3d: {  	_ =	shalt  }
0x3e: {  	_ =	shalt  }
0x3f: {  	_ =	shalt  }
0x40: {  	_ =	shalt  }
0x41: {  	_ =	shalt  }
0x42: {  	_ =	shalt  }
0x43: {  	_ =	shalt  }
0x44: {  	_ =	shalt  }
0x45: {  	_ =	shalt  }
0x46: {  	_ =	shalt  }
0x47: {  	_ =	shalt  }
0x48: {  	_ =	shalt  }
0x49: {  	_ =	shalt  }
0x4a: {  	_ =	shalt  }
0x4b: {  	_ =	shalt  }
0x4c: {  	_ =	shalt  }
0x4d: {  	_ =	shalt  }
0x4e: {  	_ =	shalt  }
0x4f: {  	_ =	shalt  }
0x50: {  	_ =	shalt  }
0x51: {  	_ =	shalt  }
0x52: {  	_ =	shalt  }
0x53: {  	_ =	shalt  }
0x54: {  	_ =	shalt  }
0x55: {  	_ =	shalt  }
0x56: {  	_ =	shalt  }
0x57: {  	_ =	shalt  }
0x58: {  	_ =	shalt  }
0x59: {  	_ =	shalt  }
0x5a: {  	_ =	shalt  }
0x5b: {  	_ =	shalt  }
0x5c: {  	_ =	shalt  }
0x5d: {  	_ =	shalt  }
0x5e: {  	_ =	shalt  }
0x5f: {  	_ =	shalt  }
0x60: {  	_ =	shalt  }
0x61: {  	_ =	shalt  }
0x62: {  	_ =	shalt  }
0x63: {  	_ =	shalt  }
0x64: {  	_ =	shalt  }
0x65: {  	_ =	shalt  }
0x66: {  	_ =	shalt  }
0x67: {  	_ =	shalt  }
0x68: {  	_ =	shalt  }
0x69: {  	_ =	shalt  }
0x6a: {  	_ =	shalt  }
0x6b: {  	_ =	shalt  }
0x6c: {  	_ =	shalt  }
0x6d: {  	_ =	shalt  }
0x6e: {  	_ =	shalt  }
0x6f: {  	_ =	shalt  }
0x70: {  	_ =	shalt  }
0x71: {  	_ =	shalt  }
0x72: {  	_ =	shalt  }
0x73: {  	_ =	shalt  }
0x74: {  	_ =	shalt  }
0x75: {  	_ =	shalt  }
0x76: {  	_ =	shalt  }
0x77: {  	_ =	shalt  }
0x78: {  	_ =	shalt  }
0x79: {  	_ =	shalt  }
0x7a: {  	_ =	shalt  }
0x7b: {  	_ =	shalt  }
0x7c: {  	_ =	shalt  }
0x7d: {  	_ =	shalt  }
0x7e: {  	_ =	shalt  }
0x7f: {  	_ =	shalt  }
0x80: {  	_ =	shalt  }
0x81: {  	_ =	shalt  }
0x82: {  	_ =	shalt  }
0x83: {  	_ =	shalt  }
0x84: {  	_ =	shalt  }
0x85: {  	_ =	shalt  }
0x86: {  	_ =	shalt  }
0x87: {  	_ =	shalt  }
.Lfunc_end0:
.L_simem_size_0:
called_computation.6_lowered:
.L_overlay_start_0:
0x88: {  	s2 =	sld [smem:$0x3FD9]  }
0x89: {  	s3 =	sld [smem:$0x3FFE];
	_ =	sdelay $0x1  }
0x8a: {  	s1 =	srdreg.scid  }
0x8b: {  	s0 =	sand.u32 $0x1, s1  }
0x8c: {  	s14 =	sshll.u32 s0, $0xA;
	s2 =	sadd.s32 s3, s2  }
0x8d: {  	s2 =	sadd.s32 s2, s14  }
0x8e: {  	[smem:$0x3FAE] =	sst s2  }
0x8f: {  	_ = 	snop  }
0x90: {  	s2 =	sld [smem:$0x3FD0];
	_ =	sdelay $0x2  }
0x91: {  	s15 =	simm.s32 $0xA;
	s4 =	simm.s32 $0x10  }
0x92: {  	[smem:s4], [sflag:s15] =	dma.local [hbm:s2], $0x1  }
0x93: {  	_ =	swait.eq [sflag:s15], $0x1  }
0x94: {  	[sflag:s15] =	ssyncset.done $0x0  }
0x95: {  	[sflag:s15] =	ssyncadd.s32 $0xFFFFFFFF  }
0x96: {  	s16 =	sld [smem:$0x11];
	(tm) =	ssettm $0x1  }
0x97: {  	s17 =	sld [smem:$0x3FFB];
	_ =	sdelay $0x3  }
0x98: {  	_ =	strace s17  }
0x99: {  	s3 =	sld [smem:$0x3FFC];
	_ =	sdelay $0x3  }
0x9a: {  	_ =	strace s3  }
0x9b: {  	s3 =	sld [smem:$0x3FFD];
	_ =	sdelay $0x3  }
0x9c: {  	_ =	strace s3  }
0x9d: {  	_ =	strace $0x8FFFFFFF  }
0x9e: {  	s18 =	sld [smem:$0x3FDB];
	_ =	sdelay $0x1  }
0x9f: {  	s19 =	simm.s32 $_scs_section_size  }
0xa0: {  	s5 =	simm.s32 $_size__tile_overlayer_lowered;
	s6 =	simm.s32 $_tile_overlayer_lowered  }
0xa1: {  	s22 =	simm.s32 $0x1BFF;
	s21 =	sshll.u32 s6, $0x1;
	s3 =	sadd.s32 s19, s18  }
0xa2: {  	s7 =	simm.s32 $0x0;
	s20 =	sshll.u32 s5, $0x1;
	s5 =	sadd.s32 s21, s3  }
0xa3: {  	[timem:s7], [sflag:s22] =	dma.local [hbm:s5], s20  }
0xa4: {  	_ =	swait.ge [sflag:s22], s20  }
0xa5: {  	s4 =	ssub.s32 $0x0, s20;
	[sflag:s22] =	ssyncset.done $0x0  }
0xa6: {  	[sflag:s22] =	ssyncadd.s32 s4;
	_ =	sdelay $0x1  }
0xa7: {  	s23 =	simm.s32 $0x1B8B  }
0xa8: {  	_ =	swait.ge [sflag:s23], $0x1  }
0xa9: {  	[sflag:s23] =	ssyncset.done $0x0  }
0xaa: {  	s25 =	simm.s32 $0x1B8E;
	s24 =	sld [smem:$0x3FFE];
	[sflag:s23] =	ssyncadd.s32 $0xFFFFFFFF  }
0xab: {  	s26 =	simm.s32 $execute0_lowered;
	[smem:$0x3FD2] =	sst s25  }
0xac: {  	s5 =	sshll.u32 s26, $0x1;
	_ =	strace $0x80000055;
	[dreg:$0x1] =	wrdreg $0xFFFFFFFF  }
0xad: {  	s28 =	simm.s32 $_size_execute0_lowered;
	s3 =	sadd.s32 s3, s5;
	[dreg:$0x0] =	wrdreg $0x0  }
0xae: {  	s5 =	sshll.u32 s28, $0x1;
	[dreg:$0x2] =	wrdreg s3  }
0xaf: {  	[dreg:$0x3] =	wrdreg s5  }
0xb0: {  	[dreg:$0x4] =	wrdreg $0xC0  }
0xb1: {  	_ =	task [dreg:s7], $0x5FFFF  }
0xb2: {  	[dreg:$0x1] =	wrdreg $0xFFFFFFFF  }
0xb3: {  	[dreg:$0x0] =	wrdreg $0x60  }
0xb4: {  	[dreg:$0x2] =	wrdreg s16  }
0xb5: {  	[dreg:$0x3] =	wrdreg s24  }
0xb6: {  	[dreg:$0x4] =	wrdreg $0x9  }
0xb7: {  	_ =	task.clear_ibuf [dreg:s7], $0x5FFFF;
	_ =	strace $0x90000055  }
0xb8: {  	s29 =	simm.s32 $0x9;
	_ =	strace $0x80000057  }
0xb9: {  	_ =	swait.ge [sflag:s29], $0x1  }
0xba: {  	[sflag:s29] =	ssyncadd.s32 $0xFFFFFFFF  }
0xbb: {  	_ =	strace $0x90000057  }
0xbc: {  	_ =	sfence  }
0xbd: {  	s30 =	sld [smem:$0x0];
	_ =	sdelay $0x2  }
0xbe: {  	s31 =	sshll.u32 s1, $0xD;
	s1 =	sshrl.u32 s1, $0x2  }
0xbf: {  	s3 =	sand.u32 $0x4000, s31;
	s1 =	sadd.s32 s1, s30  }
0xc0: {  	s0 =	sor.u32 s3, s0;
	s1 =	sshll.u32 s1, $0x11  }
0xc1: {  	s0 =	sor.u32 s1, s0  }
0xc2: {  	s0 =	sadd.s32 $0x8F2B, s0  }
0xc3: {  	[sflag:s0] =	ssyncadd.remote.s32 $0x1  }
0xc4: {  	_ =	sfence.sel $0xFFFF  }
0xc5: {  	[dreg:$0x0] =	wrdreg $0xFFFFFFFF;
	(pc) =	sbr.abs _section_cstart, $3  }
0xc6: {  	[dreg:$0x1] =	wrdreg $0xFFFFFFFF  }
0xc7: {  	_ =	task.clear_ibuf [dreg:s7], $0x2FFFF;
	_ =	strace $0x9FFFFFFF  }
0xc8: {  	(tm) =	ssettm $0x7FFFFFFF  }
0xc9: {  	_ =	shalt  }
tec
execute0_lowered:
.L_overlay_start_1:
0x0: {  	(tag) =	ssettag $0x1  }
0x1: {  	s0 =	srdreg.scid  }
0x2: {  	s1 =	sshll.u32 s0, $0x4  }
0x3: {  	s0 =	stileid.u32;
	s1 =	sand.u32 $0x10, s1  }
0x4: {  	s1 =	sor.u32 s0, s1  }
0x5: {  	s9 =	rddreg [dreg:$0x1];
	s6 =	simm.s32 $0x1;
	s2 =	smin.u32 s1, $0x4  }
0x6: {  	p0 =	slt.u32 s1, $0x4;
	s3 =	sadd.s32 s1, s2;
	s1 =	simm.s32 $0x40  }
0x7: {  	s7 =	simm.s32 $0x2;
	s3 =	sshll.u32 s3, $0x5;
	s1 =	simm.s32 @!p0 $0x20  }
0x8: {  	s10 =	simm.s32 $0x3;
	s13 =	simm.s32 $0x0;
	s4 =	sadd.s32 s1, s3  }
0x9: {  	s12 =	simm.s32 $0x0;
	s5 =	sadd.s32 $0x100E00, s9;
	s4 =	smin.u32 s4, $0x480  }
.Ltmp0:
0xa: {  	s2 =	rddreg [dreg:$0x0];
	s8 =	ssub.s32 s4, s3;
	(pc) =	sbr.rel .LBB2_1-.Ltmp0, $4  }
0xb: {  	s1 =	rddreg [dreg:$0x2];
	_ =	strace $0x80000056;
	p0 =	sgt.s32 s8, $0x0  }
0xc: {  	s9 =	sadd.s32 $0x13800, s9;
	[sflag:s6] =	ssyncpa.u1 $0x0;
	s8 =	simm.s32 @!p0 $0x0  }
0xd: {  	s11 =	smov.u32 s3;
	[sflag:s7] =	ssyncpa.u1 $0x0;
	s8 =	sshrl.u32 s8, $0x5  }
0xe: {  	v0 =	vimm.s32 $0x0;
	vm0 =	vmmov $0xff;
	vm1 =	vcmask $0x3F20;
	[sflag:s10] =	ssyncpa.u1 $0x0;
	p0 =	por $0x0, $0x0;
	s10 =	sadd.s32 $0x1, s8  }
.LBB2_9:
0xf: {  	s13 =	sadd.s32 $0x20, s11  }
0x10: {  	s15 =	smov.u32 s3;
	p2 =	slt.s32 s13, s4  }
0x11: {  	s15 =	smov.u32 @p2 s13;
	p2 =	sne.s32 s12, s10  }
.Ltmp1:
0x12: {  	p1 =	slt.u32 s12, $0x2;
	(pc) =	sbr.rel @!p2 .LBB2_10-.Ltmp1, $4  }
0x13: {  	s14 =	simm.s32 @!p1 $0x3  }
0x14: {  	s16 =	sadd.s32 $0x1, s12;
	_ =	swait.ge @!p1 [sflag:s14], $0x8000  }
0x15: {  	p0 =	por !p0, !p0;
	s13 =	smov.u32 s11;
	[sflag:s14] =	ssyncset.done @!p1 $0x0  }
0x16: {  	s12 =	smov.u32 s16;
	s11 =	smov.u32 s15;
	[sflag:s14] =	ssyncadd.s32 @!p1 $0xFFFF8000  }
.LBB2_1:
0x17: {  	p1 =	sge.u32 s12, s8  }
0x18: {  	s14 =	sxor.u32 @!p1 $0xFFFFFFFF, s12  }
0x19: {  	s31 =	sadd.s32 $0xFFFFFFFF, s12;
	s15 =	sshrl.u32 @!p1 s11, $0x3;
	s14 =	sshll.u32 @!p1 s14, $0x5  }
0x1a: {  	s16 =	sand.u32 @!p1 $0x7, s11;
	s15 =	sadd.s32 @!p1 s5, s15;
	s14 =	sand.u32 @!p1 $0x20, s14  }
0x1b: {  	[tilespmem:s14], [sflag:$0x2] =	stream.linear.gather @!p1 [hbm4b:s15+s16], $0x20, $0x38;
	[tilespmem:$0x10040] =	vst v63  }
0x1c: {  	p1 =	sge.u32 s31, s8  }
.Ltmp2:
0x1d: {  	_ = 	snop;
	(pc) =	sbr.rel @p1 .LBB2_9-.Ltmp2, $1  }
0x1e: {  	_ =	sdelay $0x3  }
0x1f: {  	s14 =	simm.s32 $0x1  }
0x20: {  	_ =	swait.ge [sflag:s7], $0x20;
	s15 =	sand.u32 $0x1, s12;
	s14 =	simm.s32 @!p0 $0x0  }
0x21: {  	s17 =	simm.s32 $0x0;
	p1 =	por $0x1, $0x1;
	s14 =	sshll.u32 s14, $0x11  }
0x22: {  	[sflag:s7] =	ssyncset.done $0x0;
	s15 =	sshll.u32 s15, $0x5;
	s16 =	sshrl.u32 s14, $0x2  }
0x23: {  	[sflag:s7] =	ssyncadd.s32 $0xFFFFFFE0;
	s14 =	sor.u32 $0x40, s16;
	s16 =	sadd.s32 $0x40, s16  }
.LBB2_3:
0x24: {  	s18 =	sshll.u32 s17, $0x4  }
0x25: {  	s18 =	sand.u32 $0x3FFFFFF0, s18  }
0x26: {  	s18 =	sadd.s32 s18, s15  }
0x27: {  	v1 =	vld.msk [tilespmem:s18+$0x0 ss:$0x1], $0xffff;
	_ =	sdelay $0x4  }
0x28: {  	vm2 =	veq.s32 v1, $0x80000000;
	v2 =	vand.u32 $0x1, v1  }
0x29: {  	v3 =	vshrl.u32 v1, $0x9;
	v1 =	vshll.u32 v1, $0xC;
	vm3 =	veq.s32 v2, $0x1  }
0x2a: {  	v2 =	vand.u32 $0x7, v3;
	v1 =	vand.u32 $0x1FE000, v1;
	v3 =	vsel vm3, $0x120000, v0  }
0x2b: {  	v2 =	vsel vm2, $0xFFFFFFFF, v2;
	v1 =	vadd.s32 v1, v3  }
0x2c: {  	v3 =	vand.u32 $0xFFFFE000, v2;
	v2 =	vshll.u32 v2, $0x7;
	v1 =	vsel vm2, $0xFFEDE000, v1  }
0x2d: {  	v2 =	vand.u32 $0x380, v2;
	v1 =	vadd.s32 v3, v1  }
0x2e: {  	v1 =	vor.u32 v2, v1  }
0x2f: {  	v1 =	vshrl.u32 v1, $0x3  }
0x30: {  	s31 =	sshll.u32 s17, $0x10  }
0x31: {  	s17 =	sshra.s32 s31, $0x2  }
0x32: {  	s17 =	sadd.s32 s17, s16  }
0x33: {  	s19 =	sadd.s32 $0x0, s17  }
0x34: {  	[tilespmem:s19], [sflag:$0x1] =	stream.indirect_vreg.gather [hbm:s2], $0x80, v1, vm0, $0x38;
	[tilespmem:$0x10040] =	vst v63  }
0x35: {  	p2 =	por p1, p1;
	s18 =	simm.s32 $0x1000;
	v2 =	vadd.s32 $0x80, v1;
	s19 =	sadd.s32 $0x2000, s19  }
.LBB2_4:
0x36: {  	[tilespmem:s19], [sflag:$0x1] =	stream.indirect_vreg.gather [hbm:s2], $0x80, v1, vm1, $0x38;
	[tilespmem:$0x10040] =	vst v63  }
0x37: {  	v1 =	vmov v2;
	s19 =	smov.u32 s18;
	p1 =	sne.s32 s18, $0x7000  }
.Ltmp3:
0x38: {  	s18 =	sadd.s32 $0x1000, s18;
	(pc) =	sbr.rel @p1 .LBB2_4-.Ltmp3, $4  }
0x39: {  	s19 =	sshra.s32 s19, $0x2  }
0x3a: {  	s19 =	sadd.s32 s19, s17  }
0x3b: {  	[tilespmem:s19], [sflag:$0x1] =	stream.indirect_vreg.gather [hbm:s2], $0x80, v2, vm0, $0x38;
	[tilespmem:$0x10040] =	vst v63  }
0x3c: {  	s19 =	sadd.s32 $0x2000, s19;
	v2 =	vadd.s32 $0x80, v2  }
0x3d: {  	_ = 	snop  }
.Ltmp4:
0x3e: {  	_ = 	snop;
	(pc) =	sbr.rel @p2 .LBB2_3-.Ltmp4, $3  }
0x3f: {  	_ =	sdelay $0x1  }
0x40: {  	[tilespmem:s19], [sflag:$0x1] =	stream.indirect_vreg.gather [hbm:s2], $0x80, v1, vm1, $0x38;
	[tilespmem:$0x10040] =	vst v63  }
0x41: {  	s17 =	simm.s32 $0x1;
	p1 =	por $0x0, $0x0  }
0x42: {  	s15 =	sshll.u32 s13, $0x7  }
0x43: {  	s31 =	sshll.u32 s13, $0x4;
	s15 =	sand.u32 $0xFFFFFC00, s15  }
0x44: {  	_ =	swait.ge [sflag:s6], $0x8000;
	s13 =	sand.u32 $0x70, s31;
	s15 =	sadd.s32 s15, s9  }
0x45: {  	s16 =	sadd.s32 $0x2000, s14;
	[sflag:s6] =	ssyncset.done $0x0;
	s13 =	sadd.s32 s13, s15  }
0x46: {  	[sflag:s6] =	ssyncadd.s32 $0xFFFF8000;
	s15 =	simm.s32 $0x400;
	s17 =	sadd.s32 $0x0, s13  }
.LBB2_7:
0x47: {  	[hbm:s17] =	stream.linear.scatter [tilespmem:s14], [sflag:$0x3], $0x2000, $0x38;
	[tilespmem:$0x10040] =	vst v63  }
0x48: {  	s17 =	smov.u32 s15;
	s14 =	smov.u32 s16;
	p1 =	sne.s32 s15, $0xC00  }
.Ltmp5:
0x49: {  	s15 =	sadd.s32 $0x400, s15;
	(pc) =	sbr.rel @p1 .LBB2_7-.Ltmp5, $2  }
0x4a: {  	_ =	sdelay $0x2  }
0x4b: {  	s16 =	sadd.s32 $0x2000, s16;
	s17 =	sadd.s32 s17, s13  }
.Ltmp6:
0x4c: {  	(pc) =	sbr.rel .LBB2_9-.Ltmp6, $2  }
0x4d: {  	_ =	sdelay $0x2  }
0x4e: {  	[hbm:s17] =	stream.linear.scatter [tilespmem:s14], [sflag:$0x3], $0x2000, $0x38;
	[tilespmem:$0x10040] =	vst v63  }
.LBB2_10:
0x4f: {  	_ =	sfence.sel $0x180000  }
0x50: {  	s2 =	simm.s32 $0x2;
	[bflag:$0x0] =	sbarrier.arrive $0xFFFF  }
0x51: {  	s30 =	simm.s32 $0x3;
	[sflag:s2] =	ssyncpa.u1 $0x1  }
0x52: {  	s31 =	simm.s32 $0x1;
	[sflag:s30] =	ssyncpa.u1 $0x1  }
0x53: {  	[sflag:s31] =	ssyncpa.u1 $0x1  }
0x54: {  	p0 =	sne.s32 s0, $0x0;
	_ =	strace $0x90000056  }
0x55: {  	s0 =	sadd.s32 @!p0 $0x100000, s1;
	[bflag:$0x2] =	sbarrier.arrive $0xFFFF  }
0x56: {  	[sflag:s0] =	ssyncadd.tile.s32 @!p0 $0x1;
	_ =	shalt  }
.Lfunc_end2:
_tile_overlayer_lowered:
.L_overlay_start_2:
0x57: {  	(tag) =	ssettag $0x2  }
0x58: {  	s0 =	rddreg [dreg:$0x0];
	s2 =	stileid.u32  }
0x59: {  	s1 =	rddreg [dreg:$0x1];
	p0 =	sne.s32 s2, $0x0  }
0x5a: {  	s3 =	rddreg [dreg:$0x2];
	[bflag:$0x3] =	sbarrier.arrive $0xFFFF;
	s2 =	simm.s32 @!p0 $0x1C01  }
0x5b: {  	[timem:s3], [sflag:s2] =	dma.local @!p0 [hbm:s0], s1  }
0x5c: {  	s0 =	simm.s32 @!p0 $0x1  }
0x5d: {  	_ =	swait.ge @!p0 [sflag:s0], s1  }
0x5e: {  	s1 =	ssub.s32 @!p0 $0x0, s1;
	[sflag:s0] =	ssyncset.done @!p0 $0x0  }
0x5f: {  	[sflag:s0] =	ssyncadd.s32 @!p0 s1  }
0x60: {  	[bflag:$0x3] =	sbarrier.arrive $0xFFFF  }
0x61: {  	_ =	shalt  }

// kernel: gather_offload_async_start
scs
__scs_entry_jumppad:
0x0: {  	(pc) =	sbr.rel $0x88, $3  }
0x1: {  	(tag) =	ssettag $0x0;
	lr =	simm.s32 $0x1  }
0x2: {  	[smem:$0x3F87] =	sst lr;
	_ =	strace $0xD0000000  }
0x3: {  	_ = 	snop  }
0x4: {  	_ = 	snop  }
0x5: {  	_ = 	snop  }
0x6: {  	_ = 	snop  }
0x7: {  	_ = 	snop  }
__scs_overlays_trampoline_lowered:
0x8: {  	[smem:$0x3F96] =	sst s0  }
0x9: {  	[smem:$0x3F97] =	sst s1  }
0xa: {  	[smem:$0x3F98] =	sst s2  }
0xb: {  	[smem:$0x3F99] =	sst s3  }
0xc: {  	[smem:$0x3F9A] =	sst s4  }
0xd: {  	[smem:$0x3F9B] =	sst s5  }
0xe: {  	[smem:$0x3F9C] =	sst s6  }
0xf: {  	[smem:$0x3F9D] =	sst s7  }
0x10: {  	[smem:$0x3F9E] =	sst s8  }
0x11: {  	[smem:$0x3F9F] =	sst s9;
	s0 =	simm.s32 @!p0 $0x0  }
0x12: {  	s1 =	sld [smem:$0x3F85];
	s0 =	simm.s32 @p0 $0x1  }
0x13: {  	[smem:$0x3FA0] =	sst s0;
	s0 =	simm.s32 @!p1 $0x0  }
0x14: {  	s2 =	sld [smem:$0x3F84];
	s0 =	simm.s32 @p1 $0x1  }
0x15: {  	[smem:$0x3FA1] =	sst s0;
	s0 =	simm.s32 @!p2 $0x0  }
0x16: {  	s3 =	sld [smem:$0x3FDB];
	s0 =	simm.s32 @p2 $0x1  }
0x17: {  	s4 =	simm.s32 $0x1BF5;
	[smem:$0x3FA3] =	sst s0  }
0x18: {  	s0 =	sld [smem:$0x3F86];
	_ =	swait.ge [sflag:s4], $0x0  }
0x19: {  	s7 =	sld [smem:$0x3F87]  }
0x1a: {  	s8 =	sadd.s32 $0xFFFFE003, lr  }
0x1b: {  	s9 =	sadd.s32 $0xFFFFFEF7, lr;
	s5 =	simm.s32 $0xFFFFFFFF;
	p2 =	slt.u32 s8, $0xFFFFF086  }
0x1c: {  	p1 =	slt.u32 s9, $0xF7A;
	s5 =	simm.s32 @!p2 $0x0  }
0x1d: {  	s5 =	simm.s32 @p1 $0x1;
	p0 =	seq.s32 s7, s2  }
0x1e: {  	s7 =	smul.u32 @!p0 $0xF7A, s2;
	p2 =	seq.s32 @!p0 s5, $0x0  }
0x1f: {  	s9 =	smul.u32 $0xF7A, s1;
	s8 =	simm.s32 @!p0 $0x1BF5;
	p2 =	por !p2, p0  }
0x20: {  	[sflag:s8] =	ssyncset.s32 @!p0 $0xFFFFF086;
	s6 =	sadd.s32 @!p0 s3, s7;
	s7 =	simm.s32 @!p0 $0x108  }
0x21: {  	s3 =	sadd.s32 s3, s9;
	s6 =	sadd.s32 @!p0 $0x88, s6;
	s7 =	simm.s32 @p2 $0x1082  }
0x22: {  	[simem:s7], [sflag:s8] =	dma.local @!p0 [hbm:s6], $0xF7A  }
0x23: {  	s9 =	sor.u32 $0xD0000000, s2;
	s6 =	simm.s32 $0x108;
	_ =	swait.ge @!p0 [sflag:s8], $0x0  }
0x24: {  	s3 =	sadd.s32 $0x88, s3;
	s6 =	simm.s32 @!p1 $0x1082;
	[sflag:s4] =	ssyncset.s32 $0xFFFFF086  }
0x25: {  	[simem:s6], [sflag:s4] =	dma.local [hbm:s3], $0xF7A  }
0x26: {  	[smem:$0x3F87] =	sst s1;
	(tag) =	ssettag s2;
	_ =	strace s9  }
0x27: {  	s1 =	sld [smem:$0x3F97]  }
0x28: {  	s2 =	sld [smem:$0x3F98]  }
0x29: {  	s4 =	sld [smem:$0x3F9A]  }
0x2a: {  	p0 =	seq.s32 s5, $0x0;
	s5 =	sld [smem:$0x3F9B]  }
0x2b: {  	s6 =	sld [smem:$0x3F9C]  }
0x2c: {  	s7 =	sld [smem:$0x3F9D]  }
0x2d: {  	s3 =	simm.s32 $0x108;
	s8 =	sld [smem:$0x3F9E]  }
0x2e: {  	s3 =	simm.s32 @!p0 $0x1082;
	s9 =	sld [smem:$0x3F9F]  }
0x2f: {  	lr =	sadd.s32 s0, s3;
	s0 =	sld [smem:$0x3F96]  }
0x30: {  	s3 =	sld [smem:$0x3F99]  }
0x31: {  	[smem:$0x3FA2] =	sst s10  }
0x32: {  	s10 =	sld [smem:$0x3FA0];
	_ =	sdelay $0x3  }
0x33: {  	p0 =	seq.s32 s10, $0x1;
	s10 =	sld [smem:$0x3FA2];
	_ =	sdelay $0x3  }
0x34: {  	[smem:$0x3FA2] =	sst s10  }
0x35: {  	s10 =	sld [smem:$0x3FA1];
	_ =	sdelay $0x3  }
0x36: {  	p1 =	seq.s32 s10, $0x1;
	s10 =	sld [smem:$0x3FA2];
	_ =	sdelay $0x3  }
0x37: {  	[smem:$0x3FA2] =	sst s10  }
0x38: {  	s10 =	sld [smem:$0x3FA3]  }
0x39: {  	_ = 	snop;
	(pc) =	sbr.ind lr, $3  }
0x3a: {  	_ = 	snop  }
0x3b: {  	_ = 	snop  }
0x3c: {  	p2 =	seq.s32 s10, $0x1;
	s10 =	sld [smem:$0x3FA2]  }
0x3d: {  	_ =	shalt  }
0x3e: {  	_ =	shalt  }
0x3f: {  	_ =	shalt  }
0x40: {  	_ =	shalt  }
0x41: {  	_ =	shalt  }
0x42: {  	_ =	shalt  }
0x43: {  	_ =	shalt  }
0x44: {  	_ =	shalt  }
0x45: {  	_ =	shalt  }
0x46: {  	_ =	shalt  }
0x47: {  	_ =	shalt  }
0x48: {  	_ =	shalt  }
0x49: {  	_ =	shalt  }
0x4a: {  	_ =	shalt  }
0x4b: {  	_ =	shalt  }
0x4c: {  	_ =	shalt  }
0x4d: {  	_ =	shalt  }
0x4e: {  	_ =	shalt  }
0x4f: {  	_ =	shalt  }
0x50: {  	_ =	shalt  }
0x51: {  	_ =	shalt  }
0x52: {  	_ =	shalt  }
0x53: {  	_ =	shalt  }
0x54: {  	_ =	shalt  }
0x55: {  	_ =	shalt  }
0x56: {  	_ =	shalt  }
0x57: {  	_ =	shalt  }
0x58: {  	_ =	shalt  }
0x59: {  	_ =	shalt  }
0x5a: {  	_ =	shalt  }
0x5b: {  	_ =	shalt  }
0x5c: {  	_ =	shalt  }
0x5d: {  	_ =	shalt  }
0x5e: {  	_ =	shalt  }
0x5f: {  	_ =	shalt  }
0x60: {  	_ =	shalt  }
0x61: {  	_ =	shalt  }
0x62: {  	_ =	shalt  }
0x63: {  	_ =	shalt  }
0x64: {  	_ =	shalt  }
0x65: {  	_ =	shalt  }
0x66: {  	_ =	shalt  }
0x67: {  	_ =	shalt  }
0x68: {  	_ =	shalt  }
0x69: {  	_ =	shalt  }
0x6a: {  	_ =	shalt  }
0x6b: {  	_ =	shalt  }
0x6c: {  	_ =	shalt  }
0x6d: {  	_ =	shalt  }
0x6e: {  	_ =	shalt  }
0x6f: {  	_ =	shalt  }
0x70: {  	_ =	shalt  }
0x71: {  	_ =	shalt  }
0x72: {  	_ =	shalt  }
0x73: {  	_ =	shalt  }
0x74: {  	_ =	shalt  }
0x75: {  	_ =	shalt  }
0x76: {  	_ =	shalt  }
0x77: {  	_ =	shalt  }
0x78: {  	_ =	shalt  }
0x79: {  	_ =	shalt  }
0x7a: {  	_ =	shalt  }
0x7b: {  	_ =	shalt  }
0x7c: {  	_ =	shalt  }
0x7d: {  	_ =	shalt  }
0x7e: {  	_ =	shalt  }
0x7f: {  	_ =	shalt  }
0x80: {  	_ =	shalt  }
0x81: {  	_ =	shalt  }
0x82: {  	_ =	shalt  }
0x83: {  	_ =	shalt  }
0x84: {  	_ =	shalt  }
0x85: {  	_ =	shalt  }
0x86: {  	_ =	shalt  }
0x87: {  	_ =	shalt  }
.Lfunc_end0:
.L_simem_size_0:
called_computation.1_lowered:
.L_overlay_start_0:
0x88: {  	s2 =	sld [smem:$0x3FD9]  }
0x89: {  	s3 =	sld [smem:$0x3FFE];
	_ =	sdelay $0x1  }
0x8a: {  	s1 =	srdreg.scid  }
0x8b: {  	s0 =	sand.u32 $0x1, s1  }
0x8c: {  	s14 =	sshll.u32 s0, $0xA;
	s2 =	sadd.s32 s3, s2  }
0x8d: {  	s2 =	sadd.s32 s2, s14  }
0x8e: {  	[smem:$0x3FAE] =	sst s2  }
0x8f: {  	_ = 	snop  }
0x90: {  	s2 =	sld [smem:$0x3FD0];
	_ =	sdelay $0x2  }
0x91: {  	s15 =	simm.s32 $0xA;
	s4 =	simm.s32 $0x10  }
0x92: {  	[smem:s4], [sflag:s15] =	dma.local [hbm:s2], $0x1  }
0x93: {  	_ =	swait.eq [sflag:s15], $0x1  }
0x94: {  	[sflag:s15] =	ssyncset.done $0x0  }
0x95: {  	[sflag:s15] =	ssyncadd.s32 $0xFFFFFFFF  }
0x96: {  	s16 =	sld [smem:$0x11];
	(tm) =	ssettm $0x1  }
0x97: {  	s17 =	sld [smem:$0x3FFB];
	_ =	sdelay $0x3  }
0x98: {  	_ =	strace s17  }
0x99: {  	s3 =	sld [smem:$0x3FFC];
	_ =	sdelay $0x3  }
0x9a: {  	_ =	strace s3  }
0x9b: {  	s3 =	sld [smem:$0x3FFD];
	_ =	sdelay $0x3  }
0x9c: {  	_ =	strace s3  }
0x9d: {  	_ =	strace $0x8FFFFFFF  }
0x9e: {  	s18 =	sld [smem:$0x3FDB];
	_ =	sdelay $0x1  }
0x9f: {  	s19 =	simm.s32 $_scs_section_size  }
0xa0: {  	s5 =	simm.s32 $_size__tile_overlayer_lowered;
	s6 =	simm.s32 $_tile_overlayer_lowered  }
0xa1: {  	s22 =	simm.s32 $0x1BFF;
	s21 =	sshll.u32 s6, $0x1;
	s3 =	sadd.s32 s19, s18  }
0xa2: {  	s7 =	simm.s32 $0x0;
	s20 =	sshll.u32 s5, $0x1;
	s5 =	sadd.s32 s21, s3  }
0xa3: {  	[timem:s7], [sflag:s22] =	dma.local [hbm:s5], s20  }
0xa4: {  	_ =	swait.ge [sflag:s22], s20  }
0xa5: {  	s4 =	ssub.s32 $0x0, s20;
	[sflag:s22] =	ssyncset.done $0x0  }
0xa6: {  	[sflag:s22] =	ssyncadd.s32 s4;
	_ =	sdelay $0x1  }
0xa7: {  	s23 =	simm.s32 $0x1B8B  }
0xa8: {  	_ =	swait.ge [sflag:s23], $0x1  }
0xa9: {  	[sflag:s23] =	ssyncset.done $0x0  }
0xaa: {  	s25 =	simm.s32 $0x1B8E;
	s24 =	sld [smem:$0x3FFE];
	[sflag:s23] =	ssyncadd.s32 $0xFFFFFFFF  }
0xab: {  	s26 =	simm.s32 $execute0_lowered;
	[smem:$0x3FD2] =	sst s25  }
0xac: {  	s5 =	sshll.u32 s26, $0x1;
	_ =	strace $0x80000046;
	[dreg:$0x1] =	wrdreg $0xFFFFFFFF  }
0xad: {  	s28 =	simm.s32 $_size_execute0_lowered;
	s3 =	sadd.s32 s3, s5;
	[dreg:$0x0] =	wrdreg $0x0  }
0xae: {  	s5 =	sshll.u32 s28, $0x1;
	[dreg:$0x2] =	wrdreg s3  }
0xaf: {  	[dreg:$0x3] =	wrdreg s5  }
0xb0: {  	[dreg:$0x4] =	wrdreg $0xC0  }
0xb1: {  	_ =	task [dreg:s7], $0x5FFFF  }
0xb2: {  	[dreg:$0x1] =	wrdreg $0xFFFFFFFF  }
0xb3: {  	[dreg:$0x0] =	wrdreg $0x60  }
0xb4: {  	[dreg:$0x2] =	wrdreg s16  }
0xb5: {  	[dreg:$0x3] =	wrdreg s24  }
0xb6: {  	[dreg:$0x4] =	wrdreg $0x9  }
0xb7: {  	_ =	task.clear_ibuf [dreg:s7], $0x5FFFF;
	_ =	strace $0x90000046  }
0xb8: {  	s29 =	simm.s32 $0x9;
	_ =	strace $0x80000048  }
0xb9: {  	_ =	swait.ge [sflag:s29], $0x1  }
0xba: {  	[sflag:s29] =	ssyncadd.s32 $0xFFFFFFFF  }
0xbb: {  	_ =	strace $0x90000048  }
0xbc: {  	_ =	sfence  }
0xbd: {  	s30 =	sld [smem:$0x0];
	_ =	sdelay $0x2  }
0xbe: {  	s31 =	sshll.u32 s1, $0xD;
	s1 =	sshrl.u32 s1, $0x2  }
0xbf: {  	s3 =	sand.u32 $0x4000, s31;
	s1 =	sadd.s32 s1, s30  }
0xc0: {  	s0 =	sor.u32 s3, s0;
	s1 =	sshll.u32 s1, $0x11  }
0xc1: {  	s0 =	sor.u32 s1, s0  }
0xc2: {  	s0 =	sadd.s32 $0x8F2B, s0  }
0xc3: {  	[sflag:s0] =	ssyncadd.remote.s32 $0x1  }
0xc4: {  	_ =	sfence.sel $0xFFFF  }
0xc5: {  	[dreg:$0x0] =	wrdreg $0xFFFFFFFF;
	(pc) =	sbr.abs _section_cstart, $3  }
0xc6: {  	[dreg:$0x1] =	wrdreg $0xFFFFFFFF  }
0xc7: {  	_ =	task.clear_ibuf [dreg:s7], $0x2FFFF;
	_ =	strace $0x9FFFFFFF  }
0xc8: {  	(tm) =	ssettm $0x7FFFFFFF  }
0xc9: {  	_ =	shalt  }
tec
execute0_lowered:
.L_overlay_start_1:
0x0: {  	(tag) =	ssettag $0x1  }
0x1: {  	s1 =	srdreg.scid;
	s2 =	rddreg [dreg:$0x0]  }
0x2: {  	s0 =	stileid.u32;
	s8 =	rddreg [dreg:$0x1]  }
0x3: {  	s5 =	simm.s32 $0x1;
	s9 =	simm.s32 $0x1;
	s1 =	sshll.u32 s1, $0x5  }
0x4: {  	s10 =	simm.s32 $0x3;
	s3 =	sshll.u32 s0, $0x6;
	s4 =	sand.u32 $0x20, s1  }
0x5: {  	s13 =	simm.s32 $0x0;
	s12 =	simm.s32 $0x0;
	s3 =	sor.u32 s3, s4  }
0x6: {  	s1 =	rddreg [dreg:$0x2];
	_ =	strace $0x80000047;
	s7 =	ssub.s32 $0x800, s3  }
.Ltmp0:
0x7: {  	s4 =	sadd.s32 $0x101000, s8;
	s6 =	sand.u32 $0x3E0, s7;
	(pc) =	sbr.rel .LBB2_1-.Ltmp0, $4  }
0x8: {  	[sflag:s5] =	ssyncpa.u1 $0x0;
	s8 =	sadd.s32 $0x102400, s8;
	p0 =	sne.s32 s6, $0x0  }
0x9: {  	s7 =	sshrl.u32 s7, $0xA;
	s6 =	simm.s32 $0x2;
	s9 =	simm.s32 @!p0 $0x0  }
0xa: {  	s11 =	smov.u32 s3;
	[sflag:s6] =	ssyncpa.u1 $0x0;
	s7 =	sadd.s32 s9, s7  }
0xb: {  	vm0 =	vmmov $0xffff;
	[sflag:s10] =	ssyncpa.u1 $0x0;
	s10 =	simm.s32 $0x0;
	s9 =	sadd.s32 $0x1, s7  }
.LBB2_5:
0xc: {  	s15 =	sadd.s32 $0x400, s11  }
0xd: {  	p1 =	sgt.s32 s15, $0x7FF  }
0xe: {  	s15 =	smov.u32 @p1 s3;
	p1 =	sne.s32 s12, s9  }
.Ltmp1:
0xf: {  	p0 =	slt.u32 s12, $0x2;
	(pc) =	sbr.rel @!p1 .LBB2_6-.Ltmp1, $4  }
0x10: {  	s14 =	simm.s32 @!p0 $0x3  }
0x11: {  	_ =	swait.ge @!p0 [sflag:s14], $0x20  }
0x12: {  	s16 =	sadd.s32 $0x1, s12;
	s13 =	smov.u32 s11;
	[sflag:s14] =	ssyncset.done @!p0 $0x0  }
0x13: {  	s12 =	smov.u32 s16;
	s11 =	smov.u32 s15;
	[sflag:s14] =	ssyncadd.s32 @!p0 $0xFFFFFFE0  }
.LBB2_1:
0x14: {  	p0 =	sge.u32 s12, s7  }
0x15: {  	s14 =	sxor.u32 @!p0 $0xFFFFFFFF, s12  }
0x16: {  	s31 =	sadd.s32 $0xFFFFFFFF, s12;
	s15 =	sshrl.u32 @!p0 s11, $0x3;
	s14 =	sshll.u32 @!p0 s14, $0x5  }
0x17: {  	s16 =	sand.u32 @!p0 $0x7, s11;
	s15 =	sadd.s32 @!p0 s4, s15;
	s14 =	sand.u32 @!p0 $0x20, s14  }
0x18: {  	[tilespmem:s14], [sflag:$0x2] =	stream.linear.gather @!p0 [hbm4b:s15+s16], $0x20, $0x38;
	[tilespmem:$0x80] =	vst v63  }
0x19: {  	p0 =	sge.u32 s31, s7  }
.Ltmp2:
0x1a: {  	_ = 	snop;
	(pc) =	sbr.rel @p0 .LBB2_5-.Ltmp2, $1  }
0x1b: {  	_ =	sdelay $0x3  }
0x1c: {  	_ =	swait.ge [sflag:s6], $0x20;
	s14 =	sshll.u32 s12, $0x5;
	s16 =	simm.s32 $0x0  }
0x1d: {  	p0 =	por $0x1, $0x1;
	[sflag:s6] =	ssyncset.done $0x0;
	s15 =	sand.u32 $0x20, s14  }
0x1e: {  	[sflag:s6] =	ssyncadd.s32 $0xFFFFFFE0;
	(ifvalue) =	ssetifvalue $0x7FFFFFFF;
	s14 =	sor.u32 $0x40, s15  }
.LBB2_3:
0x1f: {  	s17 =	sadd.s32 s16, s15  }
0x20: {  	v0 =	vld.msk [tilespmem:s17+$0x0 ss:$0x1], $0xffff;
	_ =	sdelay $0x4  }
0x21: {  	vm1 =	veq.s32 v0, $0x80000000;
	v1 =	vshll.u32 v0, $0x6  }
0x22: {  	v2 =	vshrl.u32 v0, $0x9;
	v0 =	vshll.u32 v0, $0xF;
	v1 =	vand.u32 $0x7F80, v1  }
0x23: {  	v2 =	vand.u32 $0x7, v2;
	v0 =	vand.u32 $0x8000, v0;
	v1 =	vsel vm1, $0xFFFFFF80, v1  }
0x24: {  	v2 =	vsel vm1, $0xFFFFFFFF, v2;
	v0 =	vsel vm1, $0xFFFF8000, v0;
	v3 =	vand.u32 $0xFFFFFC00, v1  }
0x25: {  	v63 =	vand.u32 $0xFFFFFC00, v2;
	v0 =	vadd.s32 v0, v3  }
0x26: {  	v1 =	vand.u32 $0x380, v1;
	v0 =	vadd.s32 v63, v0  }
0x27: {  	v2 =	vand.u32 $0x7F, v2;
	v0 =	vor.u32 v1, v0  }
0x28: {  	p1 =	por p0, p0;
	v0 =	vor.u32 v2, v0  }
.Ltmp3:
0x29: {  	_ = 	snop;
	(pc) =	sbr.rel @p1 .LBB2_3-.Ltmp3, $4  }
0x2a: {  	_ = 	snop  }
0x2b: {  	s31 =	sadd.s32 s16, s14  }
0x2c: {  	s16 =	simm.s32 $0x10;
	p0 =	por $0x0, $0x0;
	(ifvalue) =	ssetifvalue $0x7FFFFFFF  }
0x2d: {  	[tilespmem:s31], [sflag:$0x1] =	stream.indirect_vreg.gather [hbm4b:s2+s10], $0x1, v0, vm0, $0x4038;
	[tilespmem:$0x80] =	vst v63  }
.Ltmp4:
0x2e: {  	(pc) =	sbr.rel .LBB2_5-.Ltmp4, $4  }
0x2f: {  	_ =	swait.ge [sflag:s5], $0x20  }
0x30: {  	s15 =	sshrl.u32 s13, $0x3;
	[sflag:s5] =	ssyncset.done $0x0  }
0x31: {  	s31 =	sand.u32 $0x7, s13;
	s15 =	sadd.s32 s8, s15;
	[sflag:s5] =	ssyncadd.s32 $0xFFFFFFE0  }
0x32: {  	[hbm4b:s15+s31] =	stream.linear.scatter [tilespmem:s14], [sflag:$0x3], $0x20, $0x38;
	[tilespmem:$0x80] =	vst v63  }
.LBB2_6:
0x33: {  	_ =	sfence.sel $0x180000  }
0x34: {  	s2 =	simm.s32 $0x2;
	[bflag:$0x0] =	sbarrier.arrive $0xFFFF  }
0x35: {  	s30 =	simm.s32 $0x3;
	[sflag:s2] =	ssyncpa.u1 $0x1  }
0x36: {  	s31 =	simm.s32 $0x1;
	[sflag:s30] =	ssyncpa.u1 $0x1  }
0x37: {  	[sflag:s31] =	ssyncpa.u1 $0x1  }
0x38: {  	p0 =	sne.s32 s0, $0x0;
	_ =	strace $0x90000047  }
0x39: {  	s0 =	sadd.s32 @!p0 $0x100000, s1;
	[bflag:$0x2] =	sbarrier.arrive $0xFFFF  }
0x3a: {  	[sflag:s0] =	ssyncadd.tile.s32 @!p0 $0x1;
	_ =	shalt  }
.Lfunc_end2:
_tile_overlayer_lowered:
.L_overlay_start_2:
0x3b: {  	(tag) =	ssettag $0x2  }
0x3c: {  	s0 =	rddreg [dreg:$0x0];
	s2 =	stileid.u32  }
0x3d: {  	s1 =	rddreg [dreg:$0x1];
	p0 =	sne.s32 s2, $0x0  }
0x3e: {  	s3 =	rddreg [dreg:$0x2];
	[bflag:$0x3] =	sbarrier.arrive $0xFFFF;
	s2 =	simm.s32 @!p0 $0x1C01  }
0x3f: {  	[timem:s3], [sflag:s2] =	dma.local @!p0 [hbm:s0], s1  }
0x40: {  	s0 =	simm.s32 @!p0 $0x1  }
0x41: {  	_ =	swait.ge @!p0 [sflag:s0], s1  }
0x42: {  	s1 =	ssub.s32 @!p0 $0x0, s1;
	[sflag:s0] =	ssyncset.done @!p0 $0x0  }
0x43: {  	[sflag:s0] =	ssyncadd.s32 @!p0 s1  }
0x44: {  	[bflag:$0x3] =	sbarrier.arrive $0xFFFF  }
0x45: {  	_ =	shalt  }

// kernel: kernel.4.cloned.1.call-start
scs
__scs_entry_jumppad:
0x0: {  	(pc) =	sbr.rel $0x88, $3  }
0x1: {  	(tag) =	ssettag $0x0;
	lr =	simm.s32 $0x1  }
0x2: {  	[smem:$0x3F87] =	sst lr;
	_ =	strace $0xD0000000  }
0x3: {  	_ = 	snop  }
0x4: {  	_ = 	snop  }
0x5: {  	_ = 	snop  }
0x6: {  	_ = 	snop  }
0x7: {  	_ = 	snop  }
__scs_overlays_trampoline_lowered:
0x8: {  	[smem:$0x3F96] =	sst s0  }
0x9: {  	[smem:$0x3F97] =	sst s1  }
0xa: {  	[smem:$0x3F98] =	sst s2  }
0xb: {  	[smem:$0x3F99] =	sst s3  }
0xc: {  	[smem:$0x3F9A] =	sst s4  }
0xd: {  	[smem:$0x3F9B] =	sst s5  }
0xe: {  	[smem:$0x3F9C] =	sst s6  }
0xf: {  	[smem:$0x3F9D] =	sst s7  }
0x10: {  	[smem:$0x3F9E] =	sst s8  }
0x11: {  	[smem:$0x3F9F] =	sst s9;
	s0 =	simm.s32 @!p0 $0x0  }
0x12: {  	s1 =	sld [smem:$0x3F85];
	s0 =	simm.s32 @p0 $0x1  }
0x13: {  	[smem:$0x3FA0] =	sst s0;
	s0 =	simm.s32 @!p1 $0x0  }
0x14: {  	s2 =	sld [smem:$0x3F84];
	s0 =	simm.s32 @p1 $0x1  }
0x15: {  	[smem:$0x3FA1] =	sst s0;
	s0 =	simm.s32 @!p2 $0x0  }
0x16: {  	s3 =	sld [smem:$0x3FDB];
	s0 =	simm.s32 @p2 $0x1  }
0x17: {  	s4 =	simm.s32 $0x1BF5;
	[smem:$0x3FA3] =	sst s0  }
0x18: {  	s0 =	sld [smem:$0x3F86];
	_ =	swait.ge [sflag:s4], $0x0  }
0x19: {  	s7 =	sld [smem:$0x3F87]  }
0x1a: {  	s8 =	sadd.s32 $0xFFFFE003, lr  }
0x1b: {  	s9 =	sadd.s32 $0xFFFFFEF7, lr;
	s5 =	simm.s32 $0xFFFFFFFF;
	p2 =	slt.u32 s8, $0xFFFFF086  }
0x1c: {  	p1 =	slt.u32 s9, $0xF7A;
	s5 =	simm.s32 @!p2 $0x0  }
0x1d: {  	s5 =	simm.s32 @p1 $0x1;
	p0 =	seq.s32 s7, s2  }
0x1e: {  	s7 =	smul.u32 @!p0 $0xF7A, s2;
	p2 =	seq.s32 @!p0 s5, $0x0  }
0x1f: {  	s9 =	smul.u32 $0xF7A, s1;
	s8 =	simm.s32 @!p0 $0x1BF5;
	p2 =	por !p2, p0  }
0x20: {  	[sflag:s8] =	ssyncset.s32 @!p0 $0xFFFFF086;
	s6 =	sadd.s32 @!p0 s3, s7;
	s7 =	simm.s32 @!p0 $0x108  }
0x21: {  	s3 =	sadd.s32 s3, s9;
	s6 =	sadd.s32 @!p0 $0x88, s6;
	s7 =	simm.s32 @p2 $0x1082  }
0x22: {  	[simem:s7], [sflag:s8] =	dma.local @!p0 [hbm:s6], $0xF7A  }
0x23: {  	s9 =	sor.u32 $0xD0000000, s2;
	s6 =	simm.s32 $0x108;
	_ =	swait.ge @!p0 [sflag:s8], $0x0  }
0x24: {  	s3 =	sadd.s32 $0x88, s3;
	s6 =	simm.s32 @!p1 $0x1082;
	[sflag:s4] =	ssyncset.s32 $0xFFFFF086  }
0x25: {  	[simem:s6], [sflag:s4] =	dma.local [hbm:s3], $0xF7A  }
0x26: {  	[smem:$0x3F87] =	sst s1;
	(tag) =	ssettag s2;
	_ =	strace s9  }
0x27: {  	s1 =	sld [smem:$0x3F97]  }
0x28: {  	s2 =	sld [smem:$0x3F98]  }
0x29: {  	s4 =	sld [smem:$0x3F9A]  }
0x2a: {  	p0 =	seq.s32 s5, $0x0;
	s5 =	sld [smem:$0x3F9B]  }
0x2b: {  	s6 =	sld [smem:$0x3F9C]  }
0x2c: {  	s7 =	sld [smem:$0x3F9D]  }
0x2d: {  	s3 =	simm.s32 $0x108;
	s8 =	sld [smem:$0x3F9E]  }
0x2e: {  	s3 =	simm.s32 @!p0 $0x1082;
	s9 =	sld [smem:$0x3F9F]  }
0x2f: {  	lr =	sadd.s32 s0, s3;
	s0 =	sld [smem:$0x3F96]  }
0x30: {  	s3 =	sld [smem:$0x3F99]  }
0x31: {  	[smem:$0x3FA2] =	sst s10  }
0x32: {  	s10 =	sld [smem:$0x3FA0];
	_ =	sdelay $0x3  }
0x33: {  	p0 =	seq.s32 s10, $0x1;
	s10 =	sld [smem:$0x3FA2];
	_ =	sdelay $0x3  }
0x34: {  	[smem:$0x3FA2] =	sst s10  }
0x35: {  	s10 =	sld [smem:$0x3FA1];
	_ =	sdelay $0x3  }
0x36: {  	p1 =	seq.s32 s10, $0x1;
	s10 =	sld [smem:$0x3FA2];
	_ =	sdelay $0x3  }
0x37: {  	[smem:$0x3FA2] =	sst s10  }
0x38: {  	s10 =	sld [smem:$0x3FA3]  }
0x39: {  	_ = 	snop;
	(pc) =	sbr.ind lr, $3  }
0x3a: {  	_ = 	snop  }
0x3b: {  	_ = 	snop  }
0x3c: {  	p2 =	seq.s32 s10, $0x1;
	s10 =	sld [smem:$0x3FA2]  }
0x3d: {  	_ =	shalt  }
0x3e: {  	_ =	shalt  }
0x3f: {  	_ =	shalt  }
0x40: {  	_ =	shalt  }
0x41: {  	_ =	shalt  }
0x42: {  	_ =	shalt  }
0x43: {  	_ =	shalt  }
0x44: {  	_ =	shalt  }
0x45: {  	_ =	shalt  }
0x46: {  	_ =	shalt  }
0x47: {  	_ =	shalt  }
0x48: {  	_ =	shalt  }
0x49: {  	_ =	shalt  }
0x4a: {  	_ =	shalt  }
0x4b: {  	_ =	shalt  }
0x4c: {  	_ =	shalt  }
0x4d: {  	_ =	shalt  }
0x4e: {  	_ =	shalt  }
0x4f: {  	_ =	shalt  }
0x50: {  	_ =	shalt  }
0x51: {  	_ =	shalt  }
0x52: {  	_ =	shalt  }
0x53: {  	_ =	shalt  }
0x54: {  	_ =	shalt  }
0x55: {  	_ =	shalt  }
0x56: {  	_ =	shalt  }
0x57: {  	_ =	shalt  }
0x58: {  	_ =	shalt  }
0x59: {  	_ =	shalt  }
0x5a: {  	_ =	shalt  }
0x5b: {  	_ =	shalt  }
0x5c: {  	_ =	shalt  }
0x5d: {  	_ =	shalt  }
0x5e: {  	_ =	shalt  }
0x5f: {  	_ =	shalt  }
0x60: {  	_ =	shalt  }
0x61: {  	_ =	shalt  }
0x62: {  	_ =	shalt  }
0x63: {  	_ =	shalt  }
0x64: {  	_ =	shalt  }
0x65: {  	_ =	shalt  }
0x66: {  	_ =	shalt  }
0x67: {  	_ =	shalt  }
0x68: {  	_ =	shalt  }
0x69: {  	_ =	shalt  }
0x6a: {  	_ =	shalt  }
0x6b: {  	_ =	shalt  }
0x6c: {  	_ =	shalt  }
0x6d: {  	_ =	shalt  }
0x6e: {  	_ =	shalt  }
0x6f: {  	_ =	shalt  }
0x70: {  	_ =	shalt  }
0x71: {  	_ =	shalt  }
0x72: {  	_ =	shalt  }
0x73: {  	_ =	shalt  }
0x74: {  	_ =	shalt  }
0x75: {  	_ =	shalt  }
0x76: {  	_ =	shalt  }
0x77: {  	_ =	shalt  }
0x78: {  	_ =	shalt  }
0x79: {  	_ =	shalt  }
0x7a: {  	_ =	shalt  }
0x7b: {  	_ =	shalt  }
0x7c: {  	_ =	shalt  }
0x7d: {  	_ =	shalt  }
0x7e: {  	_ =	shalt  }
0x7f: {  	_ =	shalt  }
0x80: {  	_ =	shalt  }
0x81: {  	_ =	shalt  }
0x82: {  	_ =	shalt  }
0x83: {  	_ =	shalt  }
0x84: {  	_ =	shalt  }
0x85: {  	_ =	shalt  }
0x86: {  	_ =	shalt  }
0x87: {  	_ =	shalt  }
.Lfunc_end0:
.L_simem_size_0:
called_computation.7_lowered:
.L_overlay_start_0:
0x88: {  	s2 =	sld [smem:$0x3FD9]  }
0x89: {  	s3 =	sld [smem:$0x3FFE];
	_ =	sdelay $0x1  }
0x8a: {  	s1 =	srdreg.scid  }
0x8b: {  	s0 =	sand.u32 $0x1, s1  }
0x8c: {  	s14 =	sshll.u32 s0, $0xA;
	s2 =	sadd.s32 s3, s2  }
0x8d: {  	s2 =	sadd.s32 s2, s14  }
0x8e: {  	[smem:$0x3FAE] =	sst s2  }
0x8f: {  	_ = 	snop  }
0x90: {  	s2 =	sld [smem:$0x3FD0];
	_ =	sdelay $0x2  }
0x91: {  	s15 =	simm.s32 $0xA;
	s4 =	simm.s32 $0x10  }
0x92: {  	[smem:s4], [sflag:s15] =	dma.local [hbm:s2], $0x1  }
0x93: {  	_ =	swait.eq [sflag:s15], $0x1  }
0x94: {  	[sflag:s15] =	ssyncset.done $0x0  }
0x95: {  	[sflag:s15] =	ssyncadd.s32 $0xFFFFFFFF  }
0x96: {  	s16 =	sld [smem:$0x11];
	(tm) =	ssettm $0x1  }
0x97: {  	s17 =	sld [smem:$0x3FFB];
	_ =	sdelay $0x3  }
0x98: {  	_ =	strace s17  }
0x99: {  	s3 =	sld [smem:$0x3FFC];
	_ =	sdelay $0x3  }
0x9a: {  	_ =	strace s3  }
0x9b: {  	s3 =	sld [smem:$0x3FFD];
	_ =	sdelay $0x3  }
0x9c: {  	_ =	strace s3  }
0x9d: {  	_ =	strace $0x8FFFFFFF  }
0x9e: {  	s18 =	sld [smem:$0x3FDB];
	_ =	sdelay $0x1  }
0x9f: {  	s19 =	simm.s32 $_scs_section_size  }
0xa0: {  	s5 =	simm.s32 $_size__tile_overlayer_lowered;
	s6 =	simm.s32 $_tile_overlayer_lowered  }
0xa1: {  	s22 =	simm.s32 $0x1BFF;
	s21 =	sshll.u32 s6, $0x1;
	s3 =	sadd.s32 s19, s18  }
0xa2: {  	s7 =	simm.s32 $0x0;
	s20 =	sshll.u32 s5, $0x1;
	s5 =	sadd.s32 s21, s3  }
0xa3: {  	[timem:s7], [sflag:s22] =	dma.local [hbm:s5], s20  }
0xa4: {  	_ =	swait.ge [sflag:s22], s20  }
0xa5: {  	s4 =	ssub.s32 $0x0, s20;
	[sflag:s22] =	ssyncset.done $0x0  }
0xa6: {  	[sflag:s22] =	ssyncadd.s32 s4;
	_ =	sdelay $0x1  }
0xa7: {  	s23 =	simm.s32 $0x1B8B  }
0xa8: {  	_ =	swait.ge [sflag:s23], $0x1  }
0xa9: {  	[sflag:s23] =	ssyncset.done $0x0  }
0xaa: {  	s25 =	simm.s32 $0x1B8E;
	s24 =	sld [smem:$0x3FFE];
	[sflag:s23] =	ssyncadd.s32 $0xFFFFFFFF  }
0xab: {  	s26 =	simm.s32 $execute0_lowered;
	[smem:$0x3FD2] =	sst s25  }
0xac: {  	s5 =	sshll.u32 s26, $0x1;
	_ =	strace $0x80000058;
	[dreg:$0x1] =	wrdreg $0xFFFFFFFF  }
0xad: {  	s28 =	simm.s32 $_size_execute0_lowered;
	s3 =	sadd.s32 s3, s5;
	[dreg:$0x0] =	wrdreg $0x0  }
0xae: {  	s5 =	sshll.u32 s28, $0x1;
	[dreg:$0x2] =	wrdreg s3  }
0xaf: {  	[dreg:$0x3] =	wrdreg s5  }
0xb0: {  	[dreg:$0x4] =	wrdreg $0xC0  }
0xb1: {  	_ =	task [dreg:s7], $0x5FFFF  }
0xb2: {  	[dreg:$0x1] =	wrdreg $0xFFFFFFFF  }
0xb3: {  	[dreg:$0x0] =	wrdreg $0x60  }
0xb4: {  	[dreg:$0x2] =	wrdreg s24  }
0xb5: {  	[dreg:$0x3] =	wrdreg s16  }
0xb6: {  	[dreg:$0x4] =	wrdreg $0x9  }
0xb7: {  	_ =	task.clear_ibuf [dreg:s7], $0x5FFFF;
	_ =	strace $0x90000058  }
0xb8: {  	s29 =	simm.s32 $0x9;
	_ =	strace $0x8000005A  }
0xb9: {  	_ =	swait.ge [sflag:s29], $0x1  }
0xba: {  	[sflag:s29] =	ssyncadd.s32 $0xFFFFFFFF  }
0xbb: {  	_ =	strace $0x9000005A  }
0xbc: {  	_ =	sfence  }
0xbd: {  	s30 =	sld [smem:$0x0];
	_ =	sdelay $0x2  }
0xbe: {  	s31 =	sshll.u32 s1, $0xD;
	s1 =	sshrl.u32 s1, $0x2  }
0xbf: {  	s3 =	sand.u32 $0x4000, s31;
	s1 =	sadd.s32 s1, s30  }
0xc0: {  	s0 =	sor.u32 s3, s0;
	s1 =	sshll.u32 s1, $0x11  }
0xc1: {  	s0 =	sor.u32 s1, s0  }
0xc2: {  	s0 =	sadd.s32 $0x8F2B, s0  }
0xc3: {  	[sflag:s0] =	ssyncadd.remote.s32 $0x1  }
0xc4: {  	_ =	sfence.sel $0xFFFF  }
0xc5: {  	[dreg:$0x0] =	wrdreg $0xFFFFFFFF;
	(pc) =	sbr.abs _section_cstart, $3  }
0xc6: {  	[dreg:$0x1] =	wrdreg $0xFFFFFFFF  }
0xc7: {  	_ =	task.clear_ibuf [dreg:s7], $0x2FFFF;
	_ =	strace $0x9FFFFFFF  }
0xc8: {  	(tm) =	ssettm $0x7FFFFFFF  }
0xc9: {  	_ =	shalt  }
tec
execute0_lowered:
.L_overlay_start_1:
0x0: {  	(tag) =	ssettag $0x1  }
0x1: {  	s5 =	rddreg [dreg:$0x0]  }
0x2: {  	s7 =	rddreg [dreg:$0x1]  }
0x3: {  	s2 =	srdreg.scid;
	s1 =	stileid.u32  }
0x4: {  	s0 =	rddreg [dreg:$0x2];
	s4 =	sand.u32 $0x1, s2;
	s10 =	sshrl.u32 s1, $0x3  }
0x5: {  	s2 =	simm.s32 $0x0;
	s3 =	sshll.u32 s1, $0x6;
	s12 =	smul.u32 $0xC00, s10  }
0x6: {  	s6 =	sshll.u32 s4, $0x5;
	[smem:$0x7FF] =	sst s2;
	s31 =	smul.u32 $0x900, s10  }
0x7: {  	s9 =	ssub.s32 $0x2, s4;
	s4 =	sadd.s32 $0x101400, s5;
	s13 =	smul.u32 $0x6C0, s10  }
0x8: {  	s10 =	simm.s32 $0x100;
	s8 =	sor.u32 s6, s3;
	_ =	strace $0x80000059  }
0x9: {  	s3 =	sadd.s32 $0x100A00, s5;
	s11 =	sshrl.u32 s9, $0x1;
	s6 =	sadd.s32 s8, s5  }
0xa: {  	s5 =	sadd.s32 $0x100E00, s5;
	s9 =	ssub.s32 s9, s11;
	s7 =	sadd.s32 s7, s8  }
0xb: {  	v0 =	vmov s12;
	v2 =	vmov s13;
	s11 =	simm.s32 $0x1900;
	s12 =	simm.s32 $0x2B00;
	s13 =	simm.s32 $0x3880  }
0xc: {  	v1 =	vmov s31;
	s6 =	sadd.s32 $0x101000, s6;
	s8 =	smax.u32 s9, $0x1;
	s9 =	simm.s32 $0x1  }
.LBB2_1:
0xd: {  	[tilespmem:s2], [sflag:$0x1] =	stream.linear.gather [hbm4b:s6+s2], $0x100, $0x38;
	[tilespmem:$0x3980] =	vst v63  }
0xe: {  	_ =	swait.ge [sflag:s9], $0x100  }
0xf: {  	[sflag:s9] =	ssyncset.done $0x0  }
0x10: {  	[sflag:s9] =	ssyncadd.s32 $0xFFFFFF00  }
0x11: {  	[tilespmem:s10], [sflag:$0x1] =	stream.linear.gather [hbm4b:s3+s2], $0x1800, $0x38;
	[tilespmem:$0x3980] =	vst v63  }
0x12: {  	_ =	swait.ge [sflag:s9], $0x1800  }
0x13: {  	[sflag:s9] =	ssyncset.done $0x0  }
0x14: {  	[sflag:s9] =	ssyncadd.s32 $0xFFFFE800  }
0x15: {  	[tilespmem:s11], [sflag:$0x1] =	stream.linear.gather [hbm4b:s4+s2], $0x1200, $0x38;
	[tilespmem:$0x3980] =	vst v63  }
0x16: {  	_ =	swait.ge [sflag:s9], $0x1200  }
0x17: {  	[sflag:s9] =	ssyncset.done $0x0  }
0x18: {  	[sflag:s9] =	ssyncadd.s32 $0xFFFFEE00  }
0x19: {  	[tilespmem:s12], [sflag:$0x1] =	stream.linear.gather [hbm4b:s5+s2], $0xD80, $0x38;
	[tilespmem:$0x3980] =	vst v63  }
0x1a: {  	_ =	swait.ge [sflag:s9], $0xD80  }
0x1b: {  	[sflag:s9] =	ssyncset.done $0x0  }
0x1c: {  	[sflag:s9] =	ssyncadd.s32 $0xFFFFF280  }
0x1d: {  	v3 =	vld [tilespmem:$0x0];
	_ =	sdelay $0x4  }
0x1e: {  	v3 =	vadd.s32 v0, v3;
	_ =	sdelay $0x4  }
0x1f: {  	v3 =	vld.idx.msk [tilespmem:v3+s10+$0x0], $0xffff;
	_ =	sdelay $0x4  }
0x20: {  	v3 =	vadd.s32 v1, v3;
	_ =	sdelay $0x4  }
0x21: {  	v3 =	vld.idx.msk [tilespmem:v3+s11+$0x0], $0xffff;
	_ =	sdelay $0x4  }
0x22: {  	v3 =	vadd.s32 v2, v3  }
0x23: {  	v4 =	vld [tilespmem:$0x10];
	_ =	sdelay $0x3  }
0x24: {  	v3 =	vld.idx.msk [tilespmem:v3+s12+$0x0], $0xffff  }
0x25: {  	v4 =	vadd.s32 v0, v4;
	_ =	sdelay $0x3  }
0x26: {  	[tilespmem:$0x3880] =	vst v3  }
0x27: {  	v3 =	vld.idx.msk [tilespmem:v4+s10+$0x0], $0xffff;
	_ =	sdelay $0x4  }
0x28: {  	v3 =	vadd.s32 v1, v3;
	_ =	sdelay $0x4  }
0x29: {  	v3 =	vld.idx.msk [tilespmem:v3+s11+$0x0], $0xffff;
	_ =	sdelay $0x4  }
0x2a: {  	v3 =	vadd.s32 v2, v3  }
0x2b: {  	v50 =	vld [tilespmem:$0x20];
	_ =	sdelay $0x3  }
0x2c: {  	v3 =	vld.idx.msk [tilespmem:v3+s12+$0x0], $0xffff  }
0x2d: {  	v4 =	vadd.s32 v0, v50;
	_ =	sdelay $0x3  }
0x2e: {  	[tilespmem:$0x3890] =	vst v3  }
0x2f: {  	v3 =	vld.idx.msk [tilespmem:v4+s10+$0x0], $0xffff;
	_ =	sdelay $0x4  }
0x30: {  	v3 =	vadd.s32 v1, v3;
	_ =	sdelay $0x4  }
0x31: {  	v3 =	vld.idx.msk [tilespmem:v3+s11+$0x0], $0xffff;
	_ =	sdelay $0x4  }
0x32: {  	v3 =	vadd.s32 v2, v3  }
0x33: {  	v51 =	vld [tilespmem:$0x30];
	_ =	sdelay $0x3  }
0x34: {  	v3 =	vld.idx.msk [tilespmem:v3+s12+$0x0], $0xffff  }
0x35: {  	v4 =	vadd.s32 v0, v51;
	_ =	sdelay $0x3  }
0x36: {  	[tilespmem:$0x38A0] =	vst v3  }
0x37: {  	v3 =	vld.idx.msk [tilespmem:v4+s10+$0x0], $0xffff;
	_ =	sdelay $0x4  }
0x38: {  	v3 =	vadd.s32 v1, v3;
	_ =	sdelay $0x4  }
0x39: {  	v3 =	vld.idx.msk [tilespmem:v3+s11+$0x0], $0xffff;
	_ =	sdelay $0x4  }
0x3a: {  	v3 =	vadd.s32 v2, v3  }
0x3b: {  	v52 =	vld [tilespmem:$0x40];
	_ =	sdelay $0x3  }
0x3c: {  	v3 =	vld.idx.msk [tilespmem:v3+s12+$0x0], $0xffff  }
0x3d: {  	v4 =	vadd.s32 v0, v52;
	_ =	sdelay $0x3  }
0x3e: {  	[tilespmem:$0x38B0] =	vst v3  }
0x3f: {  	v3 =	vld.idx.msk [tilespmem:v4+s10+$0x0], $0xffff;
	_ =	sdelay $0x4  }
0x40: {  	v3 =	vadd.s32 v1, v3;
	_ =	sdelay $0x4  }
0x41: {  	v3 =	vld.idx.msk [tilespmem:v3+s11+$0x0], $0xffff;
	_ =	sdelay $0x4  }
0x42: {  	v3 =	vadd.s32 v2, v3  }
0x43: {  	v53 =	vld [tilespmem:$0x50];
	_ =	sdelay $0x3  }
0x44: {  	v3 =	vld.idx.msk [tilespmem:v3+s12+$0x0], $0xffff  }
0x45: {  	v4 =	vadd.s32 v0, v53;
	_ =	sdelay $0x3  }
0x46: {  	[tilespmem:$0x38C0] =	vst v3  }
0x47: {  	v3 =	vld.idx.msk [tilespmem:v4+s10+$0x0], $0xffff;
	_ =	sdelay $0x4  }
0x48: {  	v3 =	vadd.s32 v1, v3;
	_ =	sdelay $0x4  }
0x49: {  	v3 =	vld.idx.msk [tilespmem:v3+s11+$0x0], $0xffff;
	_ =	sdelay $0x4  }
0x4a: {  	v3 =	vadd.s32 v2, v3  }
0x4b: {  	v54 =	vld [tilespmem:$0x60];
	_ =	sdelay $0x3  }
0x4c: {  	v3 =	vld.idx.msk [tilespmem:v3+s12+$0x0], $0xffff  }
0x4d: {  	v4 =	vadd.s32 v0, v54;
	_ =	sdelay $0x3  }
0x4e: {  	[tilespmem:$0x38D0] =	vst v3  }
0x4f: {  	v3 =	vld.idx.msk [tilespmem:v4+s10+$0x0], $0xffff;
	_ =	sdelay $0x4  }
0x50: {  	v3 =	vadd.s32 v1, v3;
	_ =	sdelay $0x4  }
0x51: {  	v3 =	vld.idx.msk [tilespmem:v3+s11+$0x0], $0xffff;
	_ =	sdelay $0x4  }
0x52: {  	v3 =	vadd.s32 v2, v3  }
0x53: {  	v55 =	vld [tilespmem:$0x70];
	_ =	sdelay $0x3  }
0x54: {  	v3 =	vld.idx.msk [tilespmem:v3+s12+$0x0], $0xffff  }
0x55: {  	v4 =	vadd.s32 v0, v55;
	_ =	sdelay $0x3  }
0x56: {  	[tilespmem:$0x38E0] =	vst v3  }
0x57: {  	v3 =	vld.idx.msk [tilespmem:v4+s10+$0x0], $0xffff;
	_ =	sdelay $0x4  }
0x58: {  	v3 =	vadd.s32 v1, v3;
	_ =	sdelay $0x4  }
0x59: {  	v3 =	vld.idx.msk [tilespmem:v3+s11+$0x0], $0xffff;
	_ =	sdelay $0x4  }
0x5a: {  	v3 =	vadd.s32 v2, v3  }
0x5b: {  	v56 =	vld [tilespmem:$0x80];
	_ =	sdelay $0x3  }
0x5c: {  	v3 =	vld.idx.msk [tilespmem:v3+s12+$0x0], $0xffff  }
0x5d: {  	v4 =	vadd.s32 v0, v56;
	_ =	sdelay $0x3  }
0x5e: {  	[tilespmem:$0x38F0] =	vst v3  }
0x5f: {  	v3 =	vld.idx.msk [tilespmem:v4+s10+$0x0], $0xffff;
	_ =	sdelay $0x4  }
0x60: {  	v3 =	vadd.s32 v1, v3;
	_ =	sdelay $0x4  }
0x61: {  	v3 =	vld.idx.msk [tilespmem:v3+s11+$0x0], $0xffff;
	_ =	sdelay $0x4  }
0x62: {  	v3 =	vadd.s32 v2, v3  }
0x63: {  	v57 =	vld [tilespmem:$0x90];
	_ =	sdelay $0x3  }
0x64: {  	v3 =	vld.idx.msk [tilespmem:v3+s12+$0x0], $0xffff  }
0x65: {  	v4 =	vadd.s32 v0, v57;
	_ =	sdelay $0x3  }
0x66: {  	[tilespmem:$0x3900] =	vst v3  }
0x67: {  	v3 =	vld.idx.msk [tilespmem:v4+s10+$0x0], $0xffff;
	_ =	sdelay $0x4  }
0x68: {  	v3 =	vadd.s32 v1, v3;
	_ =	sdelay $0x4  }
0x69: {  	v3 =	vld.idx.msk [tilespmem:v3+s11+$0x0], $0xffff;
	_ =	sdelay $0x4  }
0x6a: {  	v3 =	vadd.s32 v2, v3  }
0x6b: {  	v58 =	vld [tilespmem:$0xA0];
	_ =	sdelay $0x3  }
0x6c: {  	v3 =	vld.idx.msk [tilespmem:v3+s12+$0x0], $0xffff  }
0x6d: {  	v4 =	vadd.s32 v0, v58;
	_ =	sdelay $0x3  }
0x6e: {  	[tilespmem:$0x3910] =	vst v3  }
0x6f: {  	v3 =	vld.idx.msk [tilespmem:v4+s10+$0x0], $0xffff;
	_ =	sdelay $0x4  }
0x70: {  	v3 =	vadd.s32 v1, v3;
	_ =	sdelay $0x4  }
0x71: {  	v3 =	vld.idx.msk [tilespmem:v3+s11+$0x0], $0xffff;
	_ =	sdelay $0x4  }
0x72: {  	v3 =	vadd.s32 v2, v3  }
0x73: {  	v59 =	vld [tilespmem:$0xB0];
	_ =	sdelay $0x3  }
0x74: {  	v3 =	vld.idx.msk [tilespmem:v3+s12+$0x0], $0xffff  }
0x75: {  	v4 =	vadd.s32 v0, v59;
	_ =	sdelay $0x3  }
0x76: {  	[tilespmem:$0x3920] =	vst v3  }
0x77: {  	v3 =	vld.idx.msk [tilespmem:v4+s10+$0x0], $0xffff;
	_ =	sdelay $0x4  }
0x78: {  	v3 =	vadd.s32 v1, v3;
	_ =	sdelay $0x4  }
0x79: {  	v3 =	vld.idx.msk [tilespmem:v3+s11+$0x0], $0xffff;
	_ =	sdelay $0x4  }
0x7a: {  	v3 =	vadd.s32 v2, v3  }
0x7b: {  	v60 =	vld [tilespmem:$0xC0];
	_ =	sdelay $0x3  }
0x7c: {  	v3 =	vld.idx.msk [tilespmem:v3+s12+$0x0], $0xffff  }
0x7d: {  	v4 =	vadd.s32 v0, v60;
	_ =	sdelay $0x3  }
0x7e: {  	[tilespmem:$0x3930] =	vst v3  }
0x7f: {  	v3 =	vld.idx.msk [tilespmem:v4+s10+$0x0], $0xffff;
	_ =	sdelay $0x4  }
0x80: {  	v3 =	vadd.s32 v1, v3;
	_ =	sdelay $0x4  }
0x81: {  	v3 =	vld.idx.msk [tilespmem:v3+s11+$0x0], $0xffff;
	_ =	sdelay $0x4  }
0x82: {  	v3 =	vadd.s32 v2, v3  }
0x83: {  	v61 =	vld [tilespmem:$0xD0];
	_ =	sdelay $0x3  }
0x84: {  	v3 =	vld.idx.msk [tilespmem:v3+s12+$0x0], $0xffff  }
0x85: {  	v4 =	vadd.s32 v0, v61;
	_ =	sdelay $0x3  }
0x86: {  	[tilespmem:$0x3940] =	vst v3  }
0x87: {  	v3 =	vld.idx.msk [tilespmem:v4+s10+$0x0], $0xffff;
	_ =	sdelay $0x4  }
0x88: {  	v3 =	vadd.s32 v1, v3;
	_ =	sdelay $0x4  }
0x89: {  	v3 =	vld.idx.msk [tilespmem:v3+s11+$0x0], $0xffff;
	_ =	sdelay $0x4  }
0x8a: {  	v3 =	vadd.s32 v2, v3  }
0x8b: {  	v62 =	vld [tilespmem:$0xE0];
	_ =	sdelay $0x3  }
0x8c: {  	v3 =	vld.idx.msk [tilespmem:v3+s12+$0x0], $0xffff  }
0x8d: {  	v4 =	vadd.s32 v0, v62;
	_ =	sdelay $0x3  }
0x8e: {  	[tilespmem:$0x3950] =	vst v3  }
0x8f: {  	v3 =	vld.idx.msk [tilespmem:v4+s10+$0x0], $0xffff;
	_ =	sdelay $0x4  }
0x90: {  	v3 =	vadd.s32 v1, v3;
	_ =	sdelay $0x4  }
0x91: {  	v3 =	vld.idx.msk [tilespmem:v3+s11+$0x0], $0xffff;
	_ =	sdelay $0x4  }
0x92: {  	v3 =	vadd.s32 v2, v3  }
0x93: {  	v63 =	vld [tilespmem:$0xF0];
	_ =	sdelay $0x3  }
0x94: {  	v3 =	vld.idx.msk [tilespmem:v3+s12+$0x0], $0xffff  }
0x95: {  	v4 =	vadd.s32 v0, v63;
	_ =	sdelay $0x3  }
0x96: {  	[tilespmem:$0x3960] =	vst v3  }
0x97: {  	v3 =	vld.idx.msk [tilespmem:v4+s10+$0x0], $0xffff;
	_ =	sdelay $0x4  }
0x98: {  	v3 =	vadd.s32 v1, v3;
	_ =	sdelay $0x4  }
0x99: {  	v3 =	vld.idx.msk [tilespmem:v3+s11+$0x0], $0xffff;
	_ =	sdelay $0x4  }
0x9a: {  	v3 =	vadd.s32 v2, v3;
	_ =	sdelay $0x4  }
0x9b: {  	v3 =	vld.idx.msk [tilespmem:v3+s12+$0x0], $0xffff;
	_ =	sdelay $0x3  }
0x9c: {  	p0 =	sne.s32 s8, $0x1  }
.Ltmp0:
0x9d: {  	[tilespmem:$0x3970] =	vst v3;
	(pc) =	sbr.rel @p0 .LBB2_1-.Ltmp0, $4  }
0x9e: {  	[hbm4b:s7+s2] =	stream.linear.scatter [tilespmem:s13], [sflag:$0x1], $0x100, $0x38;
	[tilespmem:$0x3980] =	vst v63  }
0x9f: {  	_ =	swait.ge [sflag:s9], $0x100  }
0xa0: {  	[sflag:s9] =	ssyncset.done $0x0  }
0xa1: {  	s8 =	sadd.s32 $0xFFFFFFFF, s8;
	[sflag:s9] =	ssyncadd.s32 $0xFFFFFF00  }
0xa2: {  	_ =	sfence.sel $0x180000  }
0xa3: {  	[bflag:$0x0] =	sbarrier.arrive $0xFFFF  }
0xa4: {  	p0 =	sne.s32 s1, $0x0;
	_ =	strace $0x90000059  }
0xa5: {  	s0 =	sadd.s32 @!p0 $0x100000, s0;
	[bflag:$0x2] =	sbarrier.arrive $0xFFFF  }
0xa6: {  	[sflag:s0] =	ssyncadd.tile.s32 @!p0 $0x1;
	_ =	shalt  }
.Lfunc_end2:
_tile_overlayer_lowered:
.L_overlay_start_2:
0xa7: {  	(tag) =	ssettag $0x2  }
0xa8: {  	s0 =	rddreg [dreg:$0x0];
	s2 =	stileid.u32  }
0xa9: {  	s1 =	rddreg [dreg:$0x1];
	p0 =	sne.s32 s2, $0x0  }
0xaa: {  	s3 =	rddreg [dreg:$0x2];
	[bflag:$0x3] =	sbarrier.arrive $0xFFFF;
	s2 =	simm.s32 @!p0 $0x1C01  }
0xab: {  	[timem:s3], [sflag:s2] =	dma.local @!p0 [hbm:s0], s1  }
0xac: {  	s0 =	simm.s32 @!p0 $0x1  }
0xad: {  	_ =	swait.ge @!p0 [sflag:s0], s1  }
0xae: {  	s1 =	ssub.s32 @!p0 $0x0, s1;
	[sflag:s0] =	ssyncset.done @!p0 $0x0  }
0xaf: {  	[sflag:s0] =	ssyncadd.s32 @!p0 s1  }
0xb0: {  	[bflag:$0x3] =	sbarrier.arrive $0xFFFF  }
0xb1: {  	_ =	shalt  }

// kernel: sparse-core-data-format-call.cloned.1.call-start
scs
called_computation_lowered:
.L_overlay_start_0:
0x0: {  	s2 =	sld [smem:$0x3FD9]  }
0x1: {  	s3 =	sld [smem:$0x3FFE];
	_ =	sdelay $0x1  }
0x2: {  	s1 =	srdreg.scid  }
0x3: {  	s0 =	sand.u32 $0x1, s1  }
0x4: {  	s15 =	sshll.u32 s0, $0xA;
	s2 =	sadd.s32 s3, s2  }
0x5: {  	s2 =	sadd.s32 s2, s15  }
0x6: {  	[smem:$0x3FAE] =	sst s2  }
0x7: {  	_ = 	snop  }
0x8: {  	s2 =	sld [smem:$0x3FD0];
	_ =	sdelay $0x2  }
0x9: {  	s16 =	simm.s32 $0xA;
	s4 =	simm.s32 $0x10  }
0xa: {  	[smem:s4], [sflag:s16] =	dma.local [hbm:s2], $0x1  }
0xb: {  	_ =	swait.eq [sflag:s16], $0x1  }
0xc: {  	[sflag:s16] =	ssyncset.done $0x0  }
0xd: {  	[sflag:s16] =	ssyncadd.s32 $0xFFFFFFFF  }
0xe: {  	s17 =	sld [smem:$0x11];
	(tm) =	ssettm $0x1  }
0xf: {  	s18 =	sld [smem:$0x3FFB];
	_ =	sdelay $0x3  }
0x10: {  	_ =	strace s18  }
0x11: {  	s3 =	sld [smem:$0x3FFC];
	_ =	sdelay $0x3  }
0x12: {  	_ =	strace s3  }
0x13: {  	s3 =	sld [smem:$0x3FFD];
	_ =	sdelay $0x3  }
0x14: {  	_ =	strace s3  }
0x15: {  	_ =	strace $0x8FFFFFFF  }
0x16: {  	s19 =	sld [smem:$0x3FDB];
	_ =	sdelay $0x1  }
0x17: {  	s20 =	simm.s32 $_scs_section_size  }
0x18: {  	s5 =	simm.s32 $_size__tile_overlayer_lowered;
	s6 =	simm.s32 $_tile_overlayer_lowered  }
0x19: {  	s23 =	simm.s32 $0x1BFF;
	s22 =	sshll.u32 s6, $0x1;
	s3 =	sadd.s32 s20, s19  }
0x1a: {  	s7 =	simm.s32 $0x0;
	s21 =	sshll.u32 s5, $0x1;
	s5 =	sadd.s32 s22, s3  }
0x1b: {  	[timem:s7], [sflag:s23] =	dma.local [hbm:s5], s21  }
0x1c: {  	_ =	swait.ge [sflag:s23], s21  }
0x1d: {  	s4 =	ssub.s32 $0x0, s21;
	[sflag:s23] =	ssyncset.done $0x0  }
0x1e: {  	[sflag:s23] =	ssyncadd.s32 s4;
	_ =	sdelay $0x1  }
0x1f: {  	s24 =	simm.s32 $0x1B8B  }
0x20: {  	_ =	swait.ge [sflag:s24], $0x1  }
0x21: {  	[sflag:s24] =	ssyncset.done $0x0  }
0x22: {  	s26 =	simm.s32 $0x1B8E;
	s25 =	sld [smem:$0x3FFE];
	[sflag:s24] =	ssyncadd.s32 $0xFFFFFFFF  }
0x23: {  	s27 =	simm.s32 $execute0_lowered;
	[smem:$0x3FD2] =	sst s26  }
0x24: {  	s5 =	sshll.u32 s27, $0x1;
	_ =	strace $0x8000005B;
	[dreg:$0x1] =	wrdreg $0xFFFFFFFF  }
0x25: {  	s28 =	simm.s32 $_size_execute0_lowered;
	s3 =	sadd.s32 s3, s5;
	[dreg:$0x0] =	wrdreg $0x0  }
0x26: {  	s5 =	sshll.u32 s28, $0x1;
	[dreg:$0x2] =	wrdreg s3  }
0x27: {  	[dreg:$0x3] =	wrdreg s5  }
0x28: {  	[dreg:$0x4] =	wrdreg $0xC0  }
0x29: {  	_ =	task [dreg:s7], $0x5FFFF  }
0x2a: {  	[dreg:$0x1] =	wrdreg $0xFFFFFFFF  }
0x2b: {  	[dreg:$0x0] =	wrdreg $0x60  }
0x2c: {  	[dreg:$0x2] =	wrdreg s25  }
0x2d: {  	[dreg:$0x3] =	wrdreg s17  }
0x2e: {  	[dreg:$0x4] =	wrdreg $0x9  }
0x2f: {  	_ =	task.clear_ibuf [dreg:s7], $0x5FFFF;
	_ =	strace $0x9000005B  }
0x30: {  	s29 =	simm.s32 $0x9;
	_ =	strace $0x8000005D  }
0x31: {  	_ =	swait.ge [sflag:s29], $0x1  }
0x32: {  	[sflag:s29] =	ssyncadd.s32 $0xFFFFFFFF  }
0x33: {  	_ =	strace $0x9000005D  }
0x34: {  	_ =	sfence  }
0x35: {  	s30 =	sld [smem:$0x0];
	_ =	sdelay $0x2  }
0x36: {  	s31 =	sshll.u32 s1, $0xD;
	s1 =	sshrl.u32 s1, $0x2  }
0x37: {  	s3 =	sand.u32 $0x4000, s31;
	s1 =	sadd.s32 s1, s30  }
0x38: {  	s0 =	sor.u32 s3, s0;
	s1 =	sshll.u32 s1, $0x11  }
0x39: {  	s0 =	sor.u32 s1, s0  }
0x3a: {  	s0 =	sadd.s32 $0x8F2B, s0  }
0x3b: {  	[sflag:s0] =	ssyncadd.remote.s32 $0x1  }
0x3c: {  	_ =	sfence.sel $0xFFFF  }
0x3d: {  	[dreg:$0x0] =	wrdreg $0xFFFFFFFF;
	(pc) =	sbr.abs _section_cstart, $3  }
0x3e: {  	[dreg:$0x1] =	wrdreg $0xFFFFFFFF  }
0x3f: {  	_ =	task.clear_ibuf [dreg:s7], $0x2FFFF;
	_ =	strace $0x9FFFFFFF  }
0x40: {  	(tm) =	ssettm $0x7FFFFFFF  }
0x41: {  	_ =	shalt  }
tec
execute0_lowered:
.L_overlay_start_1:
0x0: {  	(tag) =	ssettag $0x1  }
0x1: {  	s0 =	stileid.u32;
	s1 =	srdreg.scid  }
0x2: {  	s2 =	sshll.u32 s0, $0x6;
	s1 =	sshll.u32 s1, $0xA  }
0x3: {  	s8 =	simm.s32 $0x2;
	s1 =	sor.u32 s2, s1  }
0x4: {  	s17 =	simm.s32 $0x0;
	s9 =	simm.s32 $0x8000;
	s1 =	sand.u32 $0x780, s1  }
0x5: {  	s18 =	simm.s32 $0x0;
	s2 =	sand.u32 $0x1, s0;
	s3 =	ssub.s32 $0x1000, s1  }
0x6: {  	s19 =	simm.s32 $0x0;
	s4 =	ssub.s32 $0x2, s2;
	s5 =	sand.u32 $0x780, s3  }
0x7: {  	s6 =	sshrl.u32 s4, $0x1;
	p0 =	sne.s32 s5, $0x0;
	s5 =	simm.s32 $0x1  }
0x8: {  	s7 =	sand.u32 $0x1, s4;
	s3 =	sshrl.u32 s3, $0xB;
	s5 =	simm.s32 @!p0 $0x0  }
0x9: {  	s10 =	simm.s32 $0x0;
	s6 =	sadd.s32 s7, s6;
	s3 =	sadd.s32 s5, s3  }
0xa: {  	s11 =	simm.s32 $0x0;
	s4 =	rddreg [dreg:$0x0];
	s7 =	smul.u32 s3, s6  }
.Ltmp0:
0xb: {  	s12 =	simm.s32 $0x0;
	s5 =	rddreg [dreg:$0x1];
	(pc) =	sbr.rel .LBB1_1-.Ltmp0, $4  }
0xc: {  	s13 =	simm.s32 $0x0;
	s16 =	simm.s32 $0x0;
	s3 =	rddreg [dreg:$0x2]  }
0xd: {  	_ =	strace $0x8000005C;
	s6 =	simm.s32 $0x1;
	s7 =	smul.u32 $0xB, s7  }
0xe: {  	s15 =	smov.u32 s2;
	s14 =	smov.u32 s1;
	[sflag:s6] =	ssyncpa.u1 $0x0  }
0xf: {  	p0 =	por $0x0, $0x0;
	[sflag:s8] =	ssyncpa.u1 $0x0;
	s8 =	sadd.s32 $0x1, s7  }
.LBB1_4:
0x10: {  	s25 =	sshll.u32 s10, $0xC;
	s26 =	sshll.u32 s11, $0x3  }
0x11: {  	s24 =	sshra.s32 s24, $0x2;
	s30 =	sshra.s32 s12, $0x1F;
	p1 =	sgt.s32 s12, $0x1  }
0x12: {  	s28 =	smov.u32 s12;
	s31 =	sshra.s32 s10, $0x1F;
	s25 =	sand.u32 $0xFFFF8000, s25  }
0x13: {  	s27 =	sand.u32 $0xFFFFFC00, s26;
	s23 =	sadd.s32 s24, s23;
	s28 =	simm.s32 @!p1 $0x1  }
0x14: {  	p1 =	sgt.s32 s11, $0xF80;
	s29 =	sadd.s32 s27, s25;
	s27 =	sshll.u32 s10, $0x7  }
0x15: {  	[tilespmem:s22+$0x2040 ss:$0x81] =	vst.msk $0xffff, v4;
	s25 =	sand.u32 s30, s12;
	s30 =	smov.u32 s10;
	s24 =	sshrl.u32 s29, $0xC  }
0x16: {  	[tilespmem:s22+$0x2850 ss:$0x81] =	vst.msk $0xffff, v3;
	s25 =	sxor.u32 $0xFFFFFFFF, s25;
	s29 =	sshra.s32 s11, $0x1F;
	s27 =	sand.u32 $0x380, s27  }
0x17: {  	[tilespmem:s22+$0x3060 ss:$0x81] =	vst.msk $0xffff, v2;
	s25 =	sadd.s32 s25, s28;
	s28 =	smov.u32 s11;
	s29 =	sand.u32 s29, s11  }
0x18: {  	v5 =	vld [tilespmem:s21+$0xFFFFFFD0];
	[tilespmem:s22+$0x0 ss:$0x81] =	vst.msk $0xffff, v1;
	s22 =	smulhi.u32 $0x329162, s24;
	s28 =	simm.s32 @!p1 $0xF80;
	p1 =	sgt.s32 s10, $0x490  }
0x19: {  	v58 =	vld [tilespmem:s21+$0xFFFFFFE0];
	s30 =	simm.s32 @!p1 $0x490;
	s28 =	ssub.s32 s28, s29;
	p1 =	sgt.s32 s25, $0x0  }
0x1a: {  	v59 =	vld [tilespmem:s21+$0xFFFFFFF0];
	s25 =	ssub.s32 $0x1, s25;
	s29 =	sand.u32 s31, s10;
	s22 =	smul.u32 $0x510, s22  }
0x1b: {  	v60 =	vld [tilespmem:s21+$0x0];
	s25 =	simm.s32 @p1 $0x0;
	s29 =	ssub.s32 s30, s29;
	s31 =	sadd.s32 $0xFFFFF080, s28  }
0x1c: {  	v61 =	vld [tilespmem:s21+$0x10];
	[tilespmem:s23+$0x3870 ss:$0x81] =	vst.msk $0xffff, v0;
	s28 =	ssub.s32 $0x1000, s28;
	s30 =	sand.u32 $0x78, s11;
	p1 =	sgt.s32 s31, $0x7F  }
0x1d: {  	v62 =	vld [tilespmem:s21+$0x20];
	[tilespmem:s23+$0x810 ss:$0x81] =	vst.msk $0xffff, v5;
	s31 =	sadd.s32 $0xFFFFFB70, s29;
	s22 =	ssub.s32 s24, s22;
	s28 =	simm.s32 @p1 $0x0  }
0x1e: {  	v63 =	vld [tilespmem:s21+$0xFFFFFFC0];
	[tilespmem:s23+$0x1020 ss:$0x81] =	vst.msk $0xffff, v58;
	p1 =	sgt.s32 s31, $0x7F;
	s31 =	sand.u32 $0xC00, s26;
	s25 =	smul.u32 s25, s28  }
0x1f: {  	[tilespmem:s23+$0x1830 ss:$0x81] =	vst.msk $0xffff, v59;
	s26 =	ssub.s32 $0x510, s29;
	s21 =	sor.u32 s30, s31;
	s30 =	smul.u32 $0xA2000, s12  }
0x20: {  	[tilespmem:s23+$0x2040 ss:$0x81] =	vst.msk $0xffff, v60;
	s26 =	simm.s32 @p1 $0x0;
	s28 =	sand.u32 $0x7, s11;
	s21 =	sor.u32 s27, s21  }
0x21: {  	[tilespmem:s23+$0x2850 ss:$0x81] =	vst.msk $0xffff, v61;
	s31 =	smul.u32 s26, s25;
	s21 =	sshrl.u32 s21, $0x3;
	s27 =	sadd.s32 s5, s30  }
0x22: {  	[tilespmem:s23+$0x3060 ss:$0x81] =	vst.msk $0xffff, v62;
	s22 =	sshll.u32 s22, $0x9;
	s29 =	sshll.u32 s28, $0x12;
	s21 =	sadd.s32 s21, s27  }
0x23: {  	[tilespmem:s23+$0x0 ss:$0x81] =	vst.msk $0xffff, v63;
	s30 =	sand.u32 $0x3FFFFFFF, s31;
	s21 =	sadd.s32 s22, s21;
	s31 =	sor.u32 $0x400, s29  }
0x24: {  	[hbm4b:s21+s31] =	stream.strided.scatter [tilespmem:s20], [sflag:$0x2], s30, s9, s31, $0x20;
	[tilespmem:$0x10100] =	vst v63  }
.LBB1_5:
0x25: {  	p1 =	slt.u32 s16, $0x2  }
0x26: {  	s21 =	smov.u32 s19;
	p2 =	sgt.s32 @!p1 s19, $0x1  }
0x27: {  	s20 =	sshra.s32 @!p1 s19, $0x1F;
	p3 =	sgt.s32 @!p1 s18, $0xF80;
	p2 =	por !p2, p1  }
0x28: {  	s19 =	sand.u32 @!p1 s20, s19;
	p3 =	por !p3, p1;
	s20 =	smov.u32 s18  }
0x29: {  	s21 =	simm.s32 @p2 $0x1;
	s19 =	sxor.u32 @!p1 $0xFFFFFFFF, s19;
	s20 =	simm.s32 @p3 $0xF80  }
0x2a: {  	p3 =	sgt.s32 @!p1 s17, $0x490;
	s19 =	sadd.s32 @!p1 s19, s21;
	s21 =	sshra.s32 @!p1 s18, $0x1F  }
0x2b: {  	p3 =	por !p3, p1;
	p2 =	sgt.s32 @!p1 s19, $0x0;
	s19 =	ssub.s32 @!p1 $0x1, s19  }
0x2c: {  	s18 =	sand.u32 @!p1 s21, s18;
	s21 =	smov.u32 s17;
	p2 =	por !p2, p1  }
0x2d: {  	s18 =	ssub.s32 @!p1 s20, s18;
	s20 =	sshra.s32 @!p1 s17, $0x1F;
	s21 =	simm.s32 @p3 $0x490  }
0x2e: {  	s17 =	sand.u32 @!p1 s20, s17;
	s20 =	sadd.s32 @!p1 $0xFFFFF080, s18;
	s19 =	simm.s32 @!p2 $0x0  }
0x2f: {  	s18 =	ssub.s32 @!p1 $0x1000, s18;
	s17 =	ssub.s32 @!p1 s21, s17;
	p2 =	sgt.s32 @!p1 s20, $0x7F  }
0x30: {  	s21 =	smov.u32 s14;
	s20 =	sadd.s32 @!p1 $0xFFFFFB70, s17;
	p2 =	por !p2, p1  }
0x31: {  	s17 =	ssub.s32 @!p1 $0x510, s17;
	p3 =	sgt.s32 @!p1 s20, $0x7F;
	s18 =	simm.s32 @!p2 $0x0  }
0x32: {  	s20 =	sadd.s32 $0x80, s13;
	p2 =	por !p3, p1;
	s18 =	smul.u32 @!p1 s19, s18  }
0x33: {  	s19 =	sadd.s32 $0x800, s14;
	s17 =	simm.s32 @!p2 $0x0;
	p2 =	sgt.s32 s20, $0x50F  }
0x34: {  	s22 =	smov.u32 s15;
	s21 =	smov.u32 @p2 s19  }
0x35: {  	s17 =	smul.u32 @!p1 s17, s18;
	s18 =	sadd.s32 $0x2, s15;
	p3 =	sgt.s32 s21, $0xFFF  }
0x36: {  	p0 =	por !p0, !p0;
	s23 =	simm.s32 @!p1 $0x2;
	s22 =	smov.u32 @p3 s18  }
0x37: {  	s20 =	simm.s32 @p2 $0x0;
	s19 =	smov.u32 s12;
	p2 =	sgt.s32 s22, $0x1  }
0x38: {  	s12 =	smov.u32 s15;
	s22 =	smov.u32 @p2 s2;
	p2 =	sne.s32 s16, s8  }
.Ltmp1:
0x39: {  	s17 =	sand.u32 @!p1 $0x3FFFFFFF, s17;
	s21 =	smov.u32 @p3 s1;
	(pc) =	sbr.rel @!p2 .LBB1_6-.Ltmp1, $4  }
0x3a: {  	s18 =	smov.u32 s11;
	s11 =	smov.u32 s14;
	_ =	swait.ge @!p1 [sflag:s23], s17  }
0x3b: {  	s24 =	ssub.s32 @!p1 $0x0, s17;
	s17 =	smov.u32 s10;
	s10 =	smov.u32 s13  }
0x3c: {  	s13 =	smov.u32 s20;
	s14 =	smov.u32 s21;
	[sflag:s23] =	ssyncset.done @!p1 $0x0  }
0x3d: {  	s16 =	sadd.s32 $0x1, s16;
	[sflag:s23] =	ssyncadd.s32 @!p1 s24;
	s15 =	smov.u32 s22  }
.LBB1_1:
0x3e: {  	p1 =	sge.u32 s16, s7  }
0x3f: {  	s20 =	sshrl.u32 @!p1 s14, $0x3  }
0x40: {  	s21 =	sshll.u32 @!p1 s13, $0x3;
	s20 =	smul.u32 @!p1 $0x2C00, s20  }
0x41: {  	s22 =	sshll.u32 @!p1 s14, $0x7;
	s21 =	sand.u32 @!p1 $0xFFFFFC00, s21  }
0x42: {  	s20 =	sadd.s32 @!p1 s20, s21;
	s21 =	sand.u32 @!p1 $0x380, s22  }
0x43: {  	s22 =	sand.u32 @!p1 $0x7F, s13;
	s20 =	sor.u32 @!p1 s21, s20  }
0x44: {  	s21 =	sor.u32 @!p1 s22, s20  }
0x45: {  	s22 =	smulhi.u32 @!p1 $0xBA2E8BA3, s21  }
0x46: {  	s20 =	smulhi.u32 @!p1 $0xBA2E8BA3, s20  }
0x47: {  	s22 =	sshrl.u32 @!p1 s22, $0xA  }
0x48: {  	s31 =	sadd.s32 $0xFFFFFFFF, s16;
	s20 =	sshrl.u32 @!p1 s20, $0xA;
	s22 =	smul.u32 @!p1 $0x580, s22  }
0x49: {  	s23 =	sxor.u32 @!p1 $0xFFFFFFFF, s16;
	s24 =	smul.u32 @!p1 $0xB0000, s15;
	s20 =	sand.u32 @!p1 $0xFFF, s20  }
0x4a: {  	s23 =	sshll.u32 @!p1 s23, $0xE;
	s20 =	smul.u32 @!p1 $0xB0, s20;
	s21 =	ssub.s32 @!p1 s21, s22  }
0x4b: {  	s22 =	sand.u32 @!p1 $0x4000, s23;
	s23 =	sadd.s32 @!p1 s4, s24;
	s24 =	sand.u32 @!p1 $0x7, s21  }
0x4c: {  	s21 =	sshrl.u32 @!p1 s21, $0x3;
	s20 =	sadd.s32 @!p1 s20, s23;
	s23 =	sshll.u32 @!p1 s24, $0x12  }
0x4d: {  	s20 =	sadd.s32 @!p1 s21, s20;
	s21 =	sor.u32 @!p1 $0x400, s23;
	s23 =	simm.s32 @!p1 $0x2C00  }
0x4e: {  	[tilespmem:s22], [sflag:$0x1] =	stream.strided.gather @!p1 [hbm4b:s20+s21], $0x4000, s23, s21, $0x38;
	[tilespmem:$0x10100] =	vst v63  }
0x4f: {  	p1 =	sge.u32 s31, s7  }
.Ltmp2:
0x50: {  	_ = 	snop;
	(pc) =	sbr.rel @p1 .LBB1_5-.Ltmp2, $1  }
0x51: {  	_ =	sdelay $0x3  }
0x52: {  	s20 =	simm.s32 $0x1  }
0x53: {  	_ =	swait.ge [sflag:s6], $0x4000;
	s20 =	simm.s32 @!p0 $0x0  }
0x54: {  	[sflag:s6] =	ssyncset.done $0x0;
	s21 =	sshll.u32 s20, $0xE  }
0x55: {  	[sflag:s6] =	ssyncadd.s32 $0xFFFFC000;
	s21 =	sor.u32 $0x40, s21  }
0x56: {  	s20 =	smul.u32 $0x10200, s20;
	v0 =	vld [tilespmem:s21+$0x30]  }
0x57: {  	v1 =	vld [tilespmem:s21+$0xFFFFFFD0]  }
0x58: {  	s20 =	sshrl.u32 s20, $0x2;
	v5 =	vld [tilespmem:s21+$0xFFFFFFE0]  }
0x59: {  	v6 =	vld [tilespmem:s21+$0xFFFFFFF0];
	s23 =	sor.u32 $0x8000, s20  }
0x5a: {  	s31 =	sand.u32 $0x1, s16;
	v4 =	vld [tilespmem:s21+$0x0];
	s22 =	sadd.s32 $0x0, s23  }
0x5b: {  	v3 =	vld [tilespmem:s21+$0x10];
	s20 =	smul.u32 $0x10200, s31;
	[tilespmem:s22+$0x3870 ss:$0x81] =	vst.msk $0xffff, v0  }
0x5c: {  	v2 =	vld [tilespmem:s21+$0x20];
	[tilespmem:s22+$0x810 ss:$0x81] =	vst.msk $0xffff, v1  }
0x5d: {  	s20 =	sshrl.u32 s20, $0x2;
	v1 =	vld [tilespmem:s21+$0xFFFFFFC0];
	[tilespmem:s22+$0x1020 ss:$0x81] =	vst.msk $0xffff, v5;
	s21 =	sadd.s32 $0x80, s21  }
0x5e: {  	s24 =	simm.s32 $0x4;
	s25 =	simm.s32 $0x8;
	s20 =	sor.u32 $0x8000, s20;
	[tilespmem:s22+$0x1830 ss:$0x81] =	vst.msk $0xffff, v6;
	v0 =	vld [tilespmem:s21+$0x30]  }
.LBB1_3:
0x5f: {  	p1 =	sne.s32 s25, $0x1FC;
	v5 =	vld [tilespmem:s21+$0xFFFFFFD0];
	[tilespmem:s22+$0x2040 ss:$0x81] =	vst.msk $0xffff, v4  }
0x60: {  	v6 =	vld [tilespmem:s21+$0xFFFFFFE0];
	[tilespmem:s22+$0x2850 ss:$0x81] =	vst.msk $0xffff, v3  }
0x61: {  	s26 =	sshra.s32 s24, $0x2;
	s24 =	smov.u32 s25;
	v7 =	vld [tilespmem:s21+$0xFFFFFFF0];
	[tilespmem:s22+$0x3060 ss:$0x81] =	vst.msk $0xffff, v2  }
.Ltmp3:
0x62: {  	v4 =	vld [tilespmem:s21+$0x0];
	[tilespmem:s22+$0x0 ss:$0x81] =	vst.msk $0xffff, v1;
	s22 =	sadd.s32 s26, s23;
	(pc) =	sbr.rel @p1 .LBB1_3-.Ltmp3, $4  }
0x63: {  	v3 =	vld [tilespmem:s21+$0x10];
	[tilespmem:s22+$0x3870 ss:$0x81] =	vst.msk $0xffff, v0  }
0x64: {  	[tilespmem:s22+$0x810 ss:$0x81] =	vst.msk $0xffff, v5;
	v2 =	vld [tilespmem:s21+$0x20]  }
0x65: {  	v1 =	vld [tilespmem:s21+$0xFFFFFFC0];
	[tilespmem:s22+$0x1020 ss:$0x81] =	vst.msk $0xffff, v6;
	s21 =	sadd.s32 $0x80, s21  }
0x66: {  	s25 =	sadd.s32 $0x4, s25;
	v0 =	vld [tilespmem:s21+$0x30];
	[tilespmem:s22+$0x1830 ss:$0x81] =	vst.msk $0xffff, v7  }
.Ltmp4:
0x67: {  	_ = 	snop;
	(pc) =	sbr.rel .LBB1_4-.Ltmp4, $1  }
0x68: {  	_ =	sdelay $0x3  }
.LBB1_6:
0x69: {  	_ =	sfence.sel $0x180000  }
0x6a: {  	s1 =	simm.s32 $0x1;
	[bflag:$0x0] =	sbarrier.arrive $0xFFFF  }
0x6b: {  	s31 =	simm.s32 $0x2;
	[sflag:s1] =	ssyncpa.u1 $0x1  }
0x6c: {  	[sflag:s31] =	ssyncpa.u1 $0x1  }
0x6d: {  	p0 =	sne.s32 s0, $0x0;
	_ =	strace $0x9000005C  }
0x6e: {  	s0 =	sadd.s32 @!p0 $0x100000, s3;
	[bflag:$0x2] =	sbarrier.arrive $0xFFFF  }
0x6f: {  	[sflag:s0] =	ssyncadd.tile.s32 @!p0 $0x1;
	_ =	shalt  }
.Lfunc_end1:
_tile_overlayer_lowered:
.L_overlay_start_2:
0x70: {  	(tag) =	ssettag $0x2  }
0x71: {  	s0 =	rddreg [dreg:$0x0];
	s2 =	stileid.u32  }
0x72: {  	s1 =	rddreg [dreg:$0x1];
	p0 =	sne.s32 s2, $0x0  }
0x73: {  	s3 =	rddreg [dreg:$0x2];
	[bflag:$0x3] =	sbarrier.arrive $0xFFFF;
	s2 =	simm.s32 @!p0 $0x1C01  }
0x74: {  	[timem:s3], [sflag:s2] =	dma.local @!p0 [hbm:s0], s1  }
0x75: {  	s0 =	simm.s32 @!p0 $0x1  }
0x76: {  	_ =	swait.ge @!p0 [sflag:s0], s1  }
0x77: {  	s1 =	ssub.s32 @!p0 $0x0, s1;
	[sflag:s0] =	ssyncset.done @!p0 $0x0  }
0x78: {  	[sflag:s0] =	ssyncadd.s32 @!p0 s1  }
0x79: {  	[bflag:$0x3] =	sbarrier.arrive $0xFFFF  }
0x7a: {  	_ =	shalt  }

</sc_bundles>
